<compile_context>
chip_gen: v7x
topology: tpu7x:2x2x1
jax: 0.10.2.dev20260603
libtpu: 0.0.44.dev20260713+nightly
codegen_flags: <defaults>
</compile_context>

<pallas_src>
import functools

import jax
import jax.numpy as jnp
from jax import lax
from jax.experimental import pallas as pl
from jax.experimental.pallas import tpu as pltpu
from jax.experimental.pallas import tpu_sc as plsc

_N = 10000
_E = 160000
_H = 512
_NEG_SLOPE = 0.2
_MIN_NORM = 1e-15

_NW = 16
_EPW = _E // _NW
_NPAD = 10240
_ZCH = _NPAD // _NW


def _node_stage(x_ref, wq_ref, wk_ref, wt_ref, temb_ref, a_ref, ei_ref,
                s_ref, stb_ref, src_ref, dst_ref):
    a2 = a_ref[...]
    aq = a2[:, 0:_H]
    ak = a2[:, _H:2 * _H]
    at = a2[:, 2 * _H:3 * _H]
    dn_c0 = (((1,), (0,)), ((), ()))
    dn_c1 = (((1,), (1,)), ((), ()))
    vq = lax.dot_general(aq, wq_ref[...], dn_c0)
    vk = lax.dot_general(ak, wk_ref[...], dn_c0)
    v2 = jnp.concatenate([vq, vk], axis=0)
    s = lax.dot_general(v2, x_ref[...], dn_c1)
    s_ref[...] = s
    tvec = lax.dot_general(at, wt_ref[...], dn_c0)
    st = lax.dot_general(tvec, temb_ref[...], dn_c1)
    bound = 2.0 * jnp.max(s) + jnp.max(st)
    stb_ref[0:1, :] = st
    stb_ref[1:2, :] = jnp.full((1, 16), bound, jnp.float32)
    src_ref[...] = ei_ref[0, :]
    dst_ref[...] = ei_ref[1, :]


def _node_call(x, W_q, W_k, W_t, type_emb, a2, edge_index):
    return pl.pallas_call(
        _node_stage,
        out_shape=[
            jax.ShapeDtypeStruct((2, _N), jnp.float32),
            jax.ShapeDtypeStruct((2, 16), jnp.float32),
            jax.ShapeDtypeStruct((_E,), jnp.int32),
            jax.ShapeDtypeStruct((_E,), jnp.int32),
        ],
    )(x, W_q, W_k, W_t, type_emb, a2, edge_index)


_CHUNKS = (2560, 2560, 2560, 2320)


def _edge_body(s_hbm, stb_hbm, src_hbm, dst_hbm, et_hbm, out_hbm,
               src_v, d0_v, d1_v, d2_v, d3_v, et_v, s_v, stb_v, e_v, den_v,
               den_sh, sem, sem2):
    w = lax.axis_index("s")
    base = w * _EPW
    dchunks = (d0_v, d1_v, d2_v, d3_v)

    cp = pltpu.make_async_copy
    cps = [
        cp(src_hbm.at[pl.ds(base, _EPW)], src_v, sem),
        cp(et_hbm.at[pl.ds(base, _EPW)], et_v, sem),
        cp(s_hbm, s_v, sem),
        cp(stb_hbm, stb_v, sem),
    ]
    off = 0
    for k, ch in enumerate(_CHUNKS):
        cps.append(cp(dst_hbm.at[pl.ds(base + off, ch)], dchunks[k], sem))
        off += ch
    for c_ in cps:
        c_.start()

    for i in range(_ZCH // 16):
        e_v[pl.ds(i * 16, 16)] = jnp.zeros((16,), jnp.float32)
    pltpu.sync_copy(e_v.at[pl.ds(0, _ZCH)], den_sh.at[pl.ds(w * _ZCH, _ZCH)])

    for c_ in cps:
        c_.wait()

    plsc.subcore_barrier()

    bvec = stb_v[pl.ds(16, 16)]
    noff = jnp.full((16,), _N, jnp.int32)

    scs = []
    off = 0
    for k, ch in enumerate(_CHUNKS):
        dck = dchunks[k]
        eoff = off

        @plsc.parallel_loop(0, ch, 16, unroll=8)
        def _ebody(i, _dck=dck, _eoff=eoff):
            di = _dck[pl.ds(i, 16)]
            sl = pl.ds(i + _eoff, 16)
            si = src_v[sl]
            ti = et_v[sl]
            z = (plsc.load_gather(s_v, [di])
                 + plsc.load_gather(s_v, [si + noff])
                 + plsc.load_gather(stb_v, [ti]))
            raw = jnp.where(z >= 0.0, z, z * _NEG_SLOPE)
            e_v[sl] = jnp.exp(raw - bvec)

        scs.append(pltpu.async_copy(e_v.at[pl.ds(off, ch)],
                                    den_sh.at[dck], sem2, add=True))
        off += ch

    for c_ in scs:
        c_.wait()
    plsc.subcore_barrier()

    pltpu.sync_copy(den_sh, den_v)

    off = 0
    for k, ch in enumerate(_CHUNKS):
        dck = dchunks[k]
        eoff = off

        @plsc.parallel_loop(0, ch, 16, unroll=8)
        def _nbody(i, _dck=dck, _eoff=eoff):
            di = _dck[pl.ds(i, 16)]
            sl = pl.ds(i + _eoff, 16)
            dn = jnp.maximum(plsc.load_gather(den_v, [di]), _MIN_NORM)
            e_v[sl] = e_v[sl] / dn

        off += ch

    pltpu.sync_copy(e_v, out_hbm.at[pl.ds(base, _EPW)])


def _make_edge_call():
    mesh = plsc.VectorSubcoreMesh(core_axis_name="c", subcore_axis_name="s",
                                  num_cores=1)
    return functools.partial(
        pl.kernel,
        mesh=mesh,
        compiler_params=pltpu.CompilerParams(needs_layout_passes=False),
        out_type=jax.ShapeDtypeStruct((_E,), jnp.float32),
        scratch_types=[
            pltpu.VMEM((_EPW,), jnp.int32),
            pltpu.VMEM((_CHUNKS[0],), jnp.int32),
            pltpu.VMEM((_CHUNKS[1],), jnp.int32),
            pltpu.VMEM((_CHUNKS[2],), jnp.int32),
            pltpu.VMEM((_CHUNKS[3],), jnp.int32),
            pltpu.VMEM((_EPW,), jnp.int32),
            pltpu.VMEM((2 * _N,), jnp.float32),
            pltpu.VMEM((32,), jnp.float32),
            pltpu.VMEM((_EPW,), jnp.float32),
            pltpu.VMEM((_NPAD,), jnp.float32),
            pltpu.VMEM_SHARED((_NPAD,), jnp.float32),
            pltpu.SemaphoreType.DMA,
            pltpu.SemaphoreType.DMA,
        ],
    )(_edge_body)


def kernel(x, edge_index, edge_type, W_q, W_k, W_t, type_emb, a):
    a2 = a.reshape(1, 3 * _H)
    s, stb, src, dst = _node_call(x, W_q, W_k, W_t, type_emb, a2, edge_index)
    edge_call = _make_edge_call()
    return edge_call(s.reshape(2 * _N), stb.reshape(32), src, dst, edge_type)

# --- scband reference (transcript-rebuilt; emitter-appended) ---
"""Pipeline reference for scband-edge-typed-attention-27273042329631 (READ-ONLY COPY).

The authoritative reference and input builder live on the scoring server;
editing this copy changes nothing except your own understanding.
"""

import jax, jax.numpy as jnp
import numpy as np

N = 10000
E = 160000
D = 256      # node_dim
H = 512      # head_dim
T = 16       # num_edge_types
TD = 16      # type_dim
NEG_SLOPE = 0.2
MIN_NORM = 1e-15


def _xavier_uniform(key, shape):
    fan_out, fan_in = shape
    limit = float(np.sqrt(6.0 / (fan_in + fan_out)))
    return jax.random.uniform(key, shape, dtype=jnp.float32, minval=-limit, maxval=limit)


def setup_inputs(seed: int = 0) -> dict:
    key = jax.random.key(seed)
    ks = jax.random.split(key, 8)
    x = jax.random.normal(ks[0], (N, D), dtype=jnp.float32)
    edge_index = jax.random.randint(ks[1], (2, E), 0, N, dtype=jnp.int32)
    edge_type = jax.random.randint(ks[2], (E,), 0, T, dtype=jnp.int32)
    W_q = _xavier_uniform(ks[3], (H, D))
    W_k = _xavier_uniform(ks[4], (H, D))
    W_t = _xavier_uniform(ks[5], (H, TD))
    type_emb = 0.1 * jax.random.normal(ks[6], (T, TD), dtype=jnp.float32)
    # a initialized xavier_uniform over view (1, 3H)
    limit_a = float(np.sqrt(6.0 / (1 + 3 * H)))
    a = jax.random.uniform(ks[7], (3 * H,), dtype=jnp.float32, minval=-limit_a, maxval=limit_a)
    return {"x": x, "edge_index": edge_index, "edge_type": edge_type,
            "W_q": W_q, "W_k": W_k, "W_t": W_t, "type_emb": type_emb, "a": a}


def reference(x, edge_index, edge_type, W_q, W_k, W_t, type_emb, a):
    # euclidean=True -> x_tan = x (no logmap0)
    q = x @ W_q.T
    k = x @ W_k.T
    src = edge_index[0]
    dst = edge_index[1]
    q_dst = jnp.take(q, dst, axis=0)
    k_src = jnp.take(k, src, axis=0)
    t_emb = jnp.take(type_emb, edge_type, axis=0)
    t = t_emb @ W_t.T
    feat = jnp.concatenate([q_dst, k_src, t], axis=-1)
    raw = jax.nn.leaky_relu(feat @ a, negative_slope=NEG_SLOPE)
    per_recv_max = jax.ops.segment_max(raw, dst, num_segments=N)
    per_recv_max = jnp.where(jnp.isfinite(per_recv_max), per_recv_max, jnp.zeros_like(per_recv_max))
    shifted = raw - jnp.take(per_recv_max, dst, axis=0)
    exp = jnp.exp(shifted)
    denom = jax.ops.segment_sum(exp, dst, num_segments=N)
    denom = jnp.maximum(denom, MIN_NORM)
    alpha = exp / jnp.take(denom, dst, axis=0)
    return alpha

if __name__ == "__main__":
    import jax
    _d = setup_inputs()
    print(jax.jit(kernel)(*tuple(_d.values())))

</pallas_src>

<mosaic_0001>
#map = affine_map<(d0, d1) -> (0)>
module attributes {stable_mosaic.version = 14 : i64} {
  func.func @_edge_body(%arg0: i32, %arg1: i32, %arg2: memref<20000xf32, #tpu.memory_space<hbm>>, %arg3: memref<32xf32, #tpu.memory_space<hbm>>, %arg4: memref<160000xi32, #tpu.memory_space<hbm>>, %arg5: memref<160000xi32, #tpu.memory_space<hbm>>, %arg6: memref<160000xi32, #tpu.memory_space<hbm>>, %arg7: memref<160000xf32, #tpu.memory_space<hbm>>, %arg8: memref<10000xi32, #tpu.memory_space<vmem>>, %arg9: memref<2560xi32, #tpu.memory_space<vmem>>, %arg10: memref<2560xi32, #tpu.memory_space<vmem>>, %arg11: memref<2560xi32, #tpu.memory_space<vmem>>, %arg12: memref<2320xi32, #tpu.memory_space<vmem>>, %arg13: memref<10000xi32, #tpu.memory_space<vmem>>, %arg14: memref<20000xf32, #tpu.memory_space<vmem>>, %arg15: memref<32xf32, #tpu.memory_space<vmem>>, %arg16: memref<10000xf32, #tpu.memory_space<vmem>>, %arg17: memref<10240xf32, #tpu.memory_space<vmem>>, %arg18: memref<10240xf32, #tpu.memory_space<vmem_shared>>, %arg19: memref<!tpu.dma_semaphore, #tpu.memory_space<semaphore_mem>>, %arg20: memref<!tpu.dma_semaphore, #tpu.memory_space<semaphore_mem>>) attributes {dimension_semantics = [#tpu.dimension_semantics<core_parallel>, #tpu.dimension_semantics<subcore_parallel>], iteration_bounds = array<i64: 1, 16>, scalar_prefetch = 0 : i64, scratch_operands = 13 : i64, tpu.core_type = #tpu.core_type<sc_vector_subcore>, window_params = [{transform_indices = #map}, {transform_indices = #map}, {transform_indices = #map}, {transform_indices = #map}, {transform_indices = #map}, {transform_indices = #map}]} {
    %mul3A = arith.constant 10000 : i32
    %mul3A_0 = arith.muli %arg1, %mul3A : i32
    %add3A = arith.constant 0 : i32
    %add3A_1 = arith.addi %mul3A_0, %add3A : i32
    %add3A_2 = arith.constant 2560 : i32
    %add3A_3 = arith.addi %mul3A_0, %add3A_2 : i32
    %add3A_4 = arith.constant 5120 : i32
    %add3A_5 = arith.addi %mul3A_0, %add3A_4 : i32
    %add3A_6 = arith.constant 7680 : i32
    %add3A_7 = arith.addi %mul3A_0, %add3A_6 : i32
    %dma_start3A = tpu.memref_slice %arg4[%mul3A_0] : memref<160000xi32, #tpu.memory_space<hbm>> -> memref<10000xi32, #tpu.memory_space<hbm>>
    %dma_start3A_8 = tpu.memref_slice %arg4[%mul3A_0] : memref<160000xi32, #tpu.memory_space<hbm>> -> memref<10000xi32, #tpu.memory_space<hbm>>
    tpu.enqueue_dma source(%dma_start3A_8 : memref<10000xi32, #tpu.memory_space<hbm>>) target(%arg8 : memref<10000xi32, #tpu.memory_space<vmem>>) target_semaphore(%arg19 : memref<!tpu.dma_semaphore, #tpu.memory_space<semaphore_mem>>)
    %dma_start3A_9 = tpu.memref_slice %arg6[%mul3A_0] : memref<160000xi32, #tpu.memory_space<hbm>> -> memref<10000xi32, #tpu.memory_space<hbm>>
    %dma_start3A_10 = tpu.memref_slice %arg6[%mul3A_0] : memref<160000xi32, #tpu.memory_space<hbm>> -> memref<10000xi32, #tpu.memory_space<hbm>>
    tpu.enqueue_dma source(%dma_start3A_10 : memref<10000xi32, #tpu.memory_space<hbm>>) target(%arg13 : memref<10000xi32, #tpu.memory_space<vmem>>) target_semaphore(%arg19 : memref<!tpu.dma_semaphore, #tpu.memory_space<semaphore_mem>>)
    tpu.enqueue_dma source(%arg2 : memref<20000xf32, #tpu.memory_space<hbm>>) target(%arg14 : memref<20000xf32, #tpu.memory_space<vmem>>) target_semaphore(%arg19 : memref<!tpu.dma_semaphore, #tpu.memory_space<semaphore_mem>>)
    tpu.enqueue_dma source(%arg3 : memref<32xf32, #tpu.memory_space<hbm>>) target(%arg15 : memref<32xf32, #tpu.memory_space<vmem>>) target_semaphore(%arg19 : memref<!tpu.dma_semaphore, #tpu.memory_space<semaphore_mem>>)
    %dma_start3A_11 = tpu.memref_slice %arg5[%add3A_1] : memref<160000xi32, #tpu.memory_space<hbm>> -> memref<2560xi32, #tpu.memory_space<hbm>>
    %dma_start3A_12 = tpu.memref_slice %arg5[%add3A_1] : memref<160000xi32, #tpu.memory_space<hbm>> -> memref<2560xi32, #tpu.memory_space<hbm>>
    tpu.enqueue_dma source(%dma_start3A_12 : memref<2560xi32, #tpu.memory_space<hbm>>) target(%arg9 : memref<2560xi32, #tpu.memory_space<vmem>>) target_semaphore(%arg19 : memref<!tpu.dma_semaphore, #tpu.memory_space<semaphore_mem>>)
    %dma_start3A_13 = tpu.memref_slice %arg5[%add3A_3] : memref<160000xi32, #tpu.memory_space<hbm>> -> memref<2560xi32, #tpu.memory_space<hbm>>
    %dma_start3A_14 = tpu.memref_slice %arg5[%add3A_3] : memref<160000xi32, #tpu.memory_space<hbm>> -> memref<2560xi32, #tpu.memory_space<hbm>>
    tpu.enqueue_dma source(%dma_start3A_14 : memref<2560xi32, #tpu.memory_space<hbm>>) target(%arg10 : memref<2560xi32, #tpu.memory_space<vmem>>) target_semaphore(%arg19 : memref<!tpu.dma_semaphore, #tpu.memory_space<semaphore_mem>>)
    %dma_start3A_15 = tpu.memref_slice %arg5[%add3A_5] : memref<160000xi32, #tpu.memory_space<hbm>> -> memref<2560xi32, #tpu.memory_space<hbm>>
    %dma_start3A_16 = tpu.memref_slice %arg5[%add3A_5] : memref<160000xi32, #tpu.memory_space<hbm>> -> memref<2560xi32, #tpu.memory_space<hbm>>
    tpu.enqueue_dma source(%dma_start3A_16 : memref<2560xi32, #tpu.memory_space<hbm>>) target(%arg11 : memref<2560xi32, #tpu.memory_space<vmem>>) target_semaphore(%arg19 : memref<!tpu.dma_semaphore, #tpu.memory_space<semaphore_mem>>)
    %dma_start3A_17 = tpu.memref_slice %arg5[%add3A_7] : memref<160000xi32, #tpu.memory_space<hbm>> -> memref<2320xi32, #tpu.memory_space<hbm>>
    %dma_start3A_18 = tpu.memref_slice %arg5[%add3A_7] : memref<160000xi32, #tpu.memory_space<hbm>> -> memref<2320xi32, #tpu.memory_space<hbm>>
    tpu.enqueue_dma source(%dma_start3A_18 : memref<2320xi32, #tpu.memory_space<hbm>>) target(%arg12 : memref<2320xi32, #tpu.memory_space<vmem>>) target_semaphore(%arg19 : memref<!tpu.dma_semaphore, #tpu.memory_space<semaphore_mem>>)
    %broadcast_in_dim3A = arith.constant 0.000000e+00 : f32
    %broadcast_in_dim3A_19 = vector.broadcast %broadcast_in_dim3A : f32 to vector<16xf32>
    %swap3A = arith.constant 0 : index
    %swap3A_20 = tpu.vector_load %arg16[%swap3A] {strides = array<i32>} : memref<10000xf32, #tpu.memory_space<vmem>>, vector<16xf32>,
    tpu.vector_store %arg16[%swap3A], %broadcast_in_dim3A_19 {strides = array<i32>} : memref<10000xf32, #tpu.memory_space<vmem>>, vector<16xf32>,
    %broadcast_in_dim3A_21 = arith.constant 0.000000e+00 : f32
    %broadcast_in_dim3A_22 = vector.broadcast %broadcast_in_dim3A_21 : f32 to vector<16xf32>
    %swap3A_23 = arith.constant 16 : index
    %swap3A_24 = tpu.vector_load %arg16[%swap3A_23] {strides = array<i32>} : memref<10000xf32, #tpu.memory_space<vmem>>, vector<16xf32>,
    tpu.vector_store %arg16[%swap3A_23], %broadcast_in_dim3A_22 {strides = array<i32>} : memref<10000xf32, #tpu.memory_space<vmem>>, vector<16xf32>,
    %broadcast_in_dim3A_25 = arith.constant 0.000000e+00 : f32
    %broadcast_in_dim3A_26 = vector.broadcast %broadcast_in_dim3A_25 : f32 to vector<16xf32>
    %swap3A_27 = arith.constant 32 : index
    %swap3A_28 = tpu.vector_load %arg16[%swap3A_27] {strides = array<i32>} : memref<10000xf32, #tpu.memory_space<vmem>>, vector<16xf32>,
    tpu.vector_store %arg16[%swap3A_27], %broadcast_in_dim3A_26 {strides = array<i32>} : memref<10000xf32, #tpu.memory_space<vmem>>, vector<16xf32>,
    %broadcast_in_dim3A_29 = arith.constant 0.000000e+00 : f32
    %broadcast_in_dim3A_30 = vector.broadcast %broadcast_in_dim3A_29 : f32 to vector<16xf32>
    %swap3A_31 = arith.constant 48 : index
    %swap3A_32 = tpu.vector_load %arg16[%swap3A_31] {strides = array<i32>} : memref<10000xf32, #tpu.memory_space<vmem>>, vector<16xf32>,
    tpu.vector_store %arg16[%swap3A_31], %broadcast_in_dim3A_30 {strides = array<i32>} : memref<10000xf32, #tpu.memory_space<vmem>>, vector<16xf32>,
    %broadcast_in_dim3A_33 = arith.constant 0.000000e+00 : f32
    %broadcast_in_dim3A_34 = vector.broadcast %broadcast_in_dim3A_33 : f32 to vector<16xf32>
    %swap3A_35 = arith.constant 64 : index
    %swap3A_36 = tpu.vector_load %arg16[%swap3A_35] {strides = array<i32>} : memref<10000xf32, #tpu.memory_space<vmem>>, vector<16xf32>,
    tpu.vector_store %arg16[%swap3A_35], %broadcast_in_dim3A_34 {strides = array<i32>} : memref<10000xf32, #tpu.memory_space<vmem>>, vector<16xf32>,
    %broadcast_in_dim3A_37 = arith.constant 0.000000e+00 : f32
    %broadcast_in_dim3A_38 = vector.broadcast %broadcast_in_dim3A_37 : f32 to vector<16xf32>
    %swap3A_39 = arith.constant 80 : index
    %swap3A_40 = tpu.vector_load %arg16[%swap3A_39] {strides = array<i32>} : memref<10000xf32, #tpu.memory_space<vmem>>, vector<16xf32>,
    tpu.vector_store %arg16[%swap3A_39], %broadcast_in_dim3A_38 {strides = array<i32>} : memref<10000xf32, #tpu.memory_space<vmem>>, vector<16xf32>,
    %broadcast_in_dim3A_41 = arith.constant 0.000000e+00 : f32
    %broadcast_in_dim3A_42 = vector.broadcast %broadcast_in_dim3A_41 : f32 to vector<16xf32>
    %swap3A_43 = arith.constant 96 : index
    %swap3A_44 = tpu.vector_load %arg16[%swap3A_43] {strides = array<i32>} : memref<10000xf32, #tpu.memory_space<vmem>>, vector<16xf32>,
    tpu.vector_store %arg16[%swap3A_43], %broadcast_in_dim3A_42 {strides = array<i32>} : memref<10000xf32, #tpu.memory_space<vmem>>, vector<16xf32>,
    %broadcast_in_dim3A_45 = arith.constant 0.000000e+00 : f32
    %broadcast_in_dim3A_46 = vector.broadcast %broadcast_in_dim3A_45 : f32 to vector<16xf32>
    %swap3A_47 = arith.constant 112 : index
    %swap3A_48 = tpu.vector_load %arg16[%swap3A_47] {strides = array<i32>} : memref<10000xf32, #tpu.memory_space<vmem>>, vector<16xf32>,
    tpu.vector_store %arg16[%swap3A_47], %broadcast_in_dim3A_46 {strides = array<i32>} : memref<10000xf32, #tpu.memory_space<vmem>>, vector<16xf32>,
    %broadcast_in_dim3A_49 = arith.constant 0.000000e+00 : f32
    %broadcast_in_dim3A_50 = vector.broadcast %broadcast_in_dim3A_49 : f32 to vector<16xf32>
    %swap3A_51 = arith.constant 128 : index
    %swap3A_52 = tpu.vector_load %arg16[%swap3A_51] {strides = array<i32>} : memref<10000xf32, #tpu.memory_space<vmem>>, vector<16xf32>,
    tpu.vector_store %arg16[%swap3A_51], %broadcast_in_dim3A_50 {strides = array<i32>} : memref<10000xf32, #tpu.memory_space<vmem>>, vector<16xf32>,
    %broadcast_in_dim3A_53 = arith.constant 0.000000e+00 : f32
    %broadcast_in_dim3A_54 = vector.broadcast %broadcast_in_dim3A_53 : f32 to vector<16xf32>
    %swap3A_55 = arith.constant 144 : index
    %swap3A_56 = tpu.vector_load %arg16[%swap3A_55] {strides = array<i32>} : memref<10000xf32, #tpu.memory_space<vmem>>, vector<16xf32>,
    tpu.vector_store %arg16[%swap3A_55], %broadcast_in_dim3A_54 {strides = array<i32>} : memref<10000xf32, #tpu.memory_space<vmem>>, vector<16xf32>,
    %broadcast_in_dim3A_57 = arith.constant 0.000000e+00 : f32
    %broadcast_in_dim3A_58 = vector.broadcast %broadcast_in_dim3A_57 : f32 to vector<16xf32>
    %swap3A_59 = arith.constant 160 : index
    %swap3A_60 = tpu.vector_load %arg16[%swap3A_59] {strides = array<i32>} : memref<10000xf32, #tpu.memory_space<vmem>>, vector<16xf32>,
    tpu.vector_store %arg16[%swap3A_59], %broadcast_in_dim3A_58 {strides = array<i32>} : memref<10000xf32, #tpu.memory_space<vmem>>, vector<16xf32>,
    %broadcast_in_dim3A_61 = arith.constant 0.000000e+00 : f32
    %broadcast_in_dim3A_62 = vector.broadcast %broadcast_in_dim3A_61 : f32 to vector<16xf32>
    %swap3A_63 = arith.constant 176 : index
    %swap3A_64 = tpu.vector_load %arg16[%swap3A_63] {strides = array<i32>} : memref<10000xf32, #tpu.memory_space<vmem>>, vector<16xf32>,
    tpu.vector_store %arg16[%swap3A_63], %broadcast_in_dim3A_62 {strides = array<i32>} : memref<10000xf32, #tpu.memory_space<vmem>>, vector<16xf32>,
    %broadcast_in_dim3A_65 = arith.constant 0.000000e+00 : f32
    %broadcast_in_dim3A_66 = vector.broadcast %broadcast_in_dim3A_65 : f32 to vector<16xf32>
    %swap3A_67 = arith.constant 192 : index
    %swap3A_68 = tpu.vector_load %arg16[%swap3A_67] {strides = array<i32>} : memref<10000xf32, #tpu.memory_space<vmem>>, vector<16xf32>,
    tpu.vector_store %arg16[%swap3A_67], %broadcast_in_dim3A_66 {strides = array<i32>} : memref<10000xf32, #tpu.memory_space<vmem>>, vector<16xf32>,
    %broadcast_in_dim3A_69 = arith.constant 0.000000e+00 : f32
    %broadcast_in_dim3A_70 = vector.broadcast %broadcast_in_dim3A_69 : f32 to vector<16xf32>
    %swap3A_71 = arith.constant 208 : index
    %swap3A_72 = tpu.vector_load %arg16[%swap3A_71] {strides = array<i32>} : memref<10000xf32, #tpu.memory_space<vmem>>, vector<16xf32>,
    tpu.vector_store %arg16[%swap3A_71], %broadcast_in_dim3A_70 {strides = array<i32>} : memref<10000xf32, #tpu.memory_space<vmem>>, vector<16xf32>,
    %broadcast_in_dim3A_73 = arith.constant 0.000000e+00 : f32
    %broadcast_in_dim3A_74 = vector.broadcast %broadcast_in_dim3A_73 : f32 to vector<16xf32>
    %swap3A_75 = arith.constant 224 : index
    %swap3A_76 = tpu.vector_load %arg16[%swap3A_75] {strides = array<i32>} : memref<10000xf32, #tpu.memory_space<vmem>>, vector<16xf32>,
    tpu.vector_store %arg16[%swap3A_75], %broadcast_in_dim3A_74 {strides = array<i32>} : memref<10000xf32, #tpu.memory_space<vmem>>, vector<16xf32>,
    %broadcast_in_dim3A_77 = arith.constant 0.000000e+00 : f32
    %broadcast_in_dim3A_78 = vector.broadcast %broadcast_in_dim3A_77 : f32 to vector<16xf32>
    %swap3A_79 = arith.constant 240 : index
    %swap3A_80 = tpu.vector_load %arg16[%swap3A_79] {strides = array<i32>} : memref<10000xf32, #tpu.memory_space<vmem>>, vector<16xf32>,
    tpu.vector_store %arg16[%swap3A_79], %broadcast_in_dim3A_78 {strides = array<i32>} : memref<10000xf32, #tpu.memory_space<vmem>>, vector<16xf32>,
    %broadcast_in_dim3A_81 = arith.constant 0.000000e+00 : f32
    %broadcast_in_dim3A_82 = vector.broadcast %broadcast_in_dim3A_81 : f32 to vector<16xf32>
    %swap3A_83 = arith.constant 256 : index
    %swap3A_84 = tpu.vector_load %arg16[%swap3A_83] {strides = array<i32>} : memref<10000xf32, #tpu.memory_space<vmem>>, vector<16xf32>,
    tpu.vector_store %arg16[%swap3A_83], %broadcast_in_dim3A_82 {strides = array<i32>} : memref<10000xf32, #tpu.memory_space<vmem>>, vector<16xf32>,
    %broadcast_in_dim3A_85 = arith.constant 0.000000e+00 : f32
    %broadcast_in_dim3A_86 = vector.broadcast %broadcast_in_dim3A_85 : f32 to vector<16xf32>
    %swap3A_87 = arith.constant 272 : index
    %swap3A_88 = tpu.vector_load %arg16[%swap3A_87] {strides = array<i32>} : memref<10000xf32, #tpu.memory_space<vmem>>, vector<16xf32>,
    tpu.vector_store %arg16[%swap3A_87], %broadcast_in_dim3A_86 {strides = array<i32>} : memref<10000xf32, #tpu.memory_space<vmem>>, vector<16xf32>,
    %broadcast_in_dim3A_89 = arith.constant 0.000000e+00 : f32
    %broadcast_in_dim3A_90 = vector.broadcast %broadcast_in_dim3A_89 : f32 to vector<16xf32>
    %swap3A_91 = arith.constant 288 : index
    %swap3A_92 = tpu.vector_load %arg16[%swap3A_91] {strides = array<i32>} : memref<10000xf32, #tpu.memory_space<vmem>>, vector<16xf32>,
    tpu.vector_store %arg16[%swap3A_91], %broadcast_in_dim3A_90 {strides = array<i32>} : memref<10000xf32, #tpu.memory_space<vmem>>, vector<16xf32>,
    %broadcast_in_dim3A_93 = arith.constant 0.000000e+00 : f32
    %broadcast_in_dim3A_94 = vector.broadcast %broadcast_in_dim3A_93 : f32 to vector<16xf32>
    %swap3A_95 = arith.constant 304 : index
    %swap3A_96 = tpu.vector_load %arg16[%swap3A_95] {strides = array<i32>} : memref<10000xf32, #tpu.memory_space<vmem>>, vector<16xf32>,
    tpu.vector_store %arg16[%swap3A_95], %broadcast_in_dim3A_94 {strides = array<i32>} : memref<10000xf32, #tpu.memory_space<vmem>>, vector<16xf32>,
    %broadcast_in_dim3A_97 = arith.constant 0.000000e+00 : f32
    %broadcast_in_dim3A_98 = vector.broadcast %broadcast_in_dim3A_97 : f32 to vector<16xf32>
    %swap3A_99 = arith.constant 320 : index
    %swap3A_100 = tpu.vector_load %arg16[%swap3A_99] {strides = array<i32>} : memref<10000xf32, #tpu.memory_space<vmem>>, vector<16xf32>,
    tpu.vector_store %arg16[%swap3A_99], %broadcast_in_dim3A_98 {strides = array<i32>} : memref<10000xf32, #tpu.memory_space<vmem>>, vector<16xf32>,
    %broadcast_in_dim3A_101 = arith.constant 0.000000e+00 : f32
    %broadcast_in_dim3A_102 = vector.broadcast %broadcast_in_dim3A_101 : f32 to vector<16xf32>
    %swap3A_103 = arith.constant 336 : index
    %swap3A_104 = tpu.vector_load %arg16[%swap3A_103] {strides = array<i32>} : memref<10000xf32, #tpu.memory_space<vmem>>, vector<16xf32>,
    tpu.vector_store %arg16[%swap3A_103], %broadcast_in_dim3A_102 {strides = array<i32>} : memref<10000xf32, #tpu.memory_space<vmem>>, vector<16xf32>,
    %broadcast_in_dim3A_105 = arith.constant 0.000000e+00 : f32
    %broadcast_in_dim3A_106 = vector.broadcast %broadcast_in_dim3A_105 : f32 to vector<16xf32>
    %swap3A_107 = arith.constant 352 : index
    %swap3A_108 = tpu.vector_load %arg16[%swap3A_107] {strides = array<i32>} : memref<10000xf32, #tpu.memory_space<vmem>>, vector<16xf32>,
    tpu.vector_store %arg16[%swap3A_107], %broadcast_in_dim3A_106 {strides = array<i32>} : memref<10000xf32, #tpu.memory_space<vmem>>, vector<16xf32>,
    %broadcast_in_dim3A_109 = arith.constant 0.000000e+00 : f32
    %broadcast_in_dim3A_110 = vector.broadcast %broadcast_in_dim3A_109 : f32 to vector<16xf32>
    %swap3A_111 = arith.constant 368 : index
    %swap3A_112 = tpu.vector_load %arg16[%swap3A_111] {strides = array<i32>} : memref<10000xf32, #tpu.memory_space<vmem>>, vector<16xf32>,
    tpu.vector_store %arg16[%swap3A_111], %broadcast_in_dim3A_110 {strides = array<i32>} : memref<10000xf32, #tpu.memory_space<vmem>>, vector<16xf32>,
    %broadcast_in_dim3A_113 = arith.constant 0.000000e+00 : f32
    %broadcast_in_dim3A_114 = vector.broadcast %broadcast_in_dim3A_113 : f32 to vector<16xf32>
    %swap3A_115 = arith.constant 384 : index
    %swap3A_116 = tpu.vector_load %arg16[%swap3A_115] {strides = array<i32>} : memref<10000xf32, #tpu.memory_space<vmem>>, vector<16xf32>,
    tpu.vector_store %arg16[%swap3A_115], %broadcast_in_dim3A_114 {strides = array<i32>} : memref<10000xf32, #tpu.memory_space<vmem>>, vector<16xf32>,
    %broadcast_in_dim3A_117 = arith.constant 0.000000e+00 : f32
    %broadcast_in_dim3A_118 = vector.broadcast %broadcast_in_dim3A_117 : f32 to vector<16xf32>
    %swap3A_119 = arith.constant 400 : index
    %swap3A_120 = tpu.vector_load %arg16[%swap3A_119] {strides = array<i32>} : memref<10000xf32, #tpu.memory_space<vmem>>, vector<16xf32>,
    tpu.vector_store %arg16[%swap3A_119], %broadcast_in_dim3A_118 {strides = array<i32>} : memref<10000xf32, #tpu.memory_space<vmem>>, vector<16xf32>,
    %broadcast_in_dim3A_121 = arith.constant 0.000000e+00 : f32
    %broadcast_in_dim3A_122 = vector.broadcast %broadcast_in_dim3A_121 : f32 to vector<16xf32>
    %swap3A_123 = arith.constant 416 : index
    %swap3A_124 = tpu.vector_load %arg16[%swap3A_123] {strides = array<i32>} : memref<10000xf32, #tpu.memory_space<vmem>>, vector<16xf32>,
    tpu.vector_store %arg16[%swap3A_123], %broadcast_in_dim3A_122 {strides = array<i32>} : memref<10000xf32, #tpu.memory_space<vmem>>, vector<16xf32>,
    %broadcast_in_dim3A_125 = arith.constant 0.000000e+00 : f32
    %broadcast_in_dim3A_126 = vector.broadcast %broadcast_in_dim3A_125 : f32 to vector<16xf32>
    %swap3A_127 = arith.constant 432 : index
    %swap3A_128 = tpu.vector_load %arg16[%swap3A_127] {strides = array<i32>} : memref<10000xf32, #tpu.memory_space<vmem>>, vector<16xf32>,
    tpu.vector_store %arg16[%swap3A_127], %broadcast_in_dim3A_126 {strides = array<i32>} : memref<10000xf32, #tpu.memory_space<vmem>>, vector<16xf32>,
    %broadcast_in_dim3A_129 = arith.constant 0.000000e+00 : f32
    %broadcast_in_dim3A_130 = vector.broadcast %broadcast_in_dim3A_129 : f32 to vector<16xf32>
    %swap3A_131 = arith.constant 448 : index
    %swap3A_132 = tpu.vector_load %arg16[%swap3A_131] {strides = array<i32>} : memref<10000xf32, #tpu.memory_space<vmem>>, vector<16xf32>,
    tpu.vector_store %arg16[%swap3A_131], %broadcast_in_dim3A_130 {strides = array<i32>} : memref<10000xf32, #tpu.memory_space<vmem>>, vector<16xf32>,
    %broadcast_in_dim3A_133 = arith.constant 0.000000e+00 : f32
    %broadcast_in_dim3A_134 = vector.broadcast %broadcast_in_dim3A_133 : f32 to vector<16xf32>
    %swap3A_135 = arith.constant 464 : index
    %swap3A_136 = tpu.vector_load %arg16[%swap3A_135] {strides = array<i32>} : memref<10000xf32, #tpu.memory_space<vmem>>, vector<16xf32>,
    tpu.vector_store %arg16[%swap3A_135], %broadcast_in_dim3A_134 {strides = array<i32>} : memref<10000xf32, #tpu.memory_space<vmem>>, vector<16xf32>,
    %broadcast_in_dim3A_137 = arith.constant 0.000000e+00 : f32
    %broadcast_in_dim3A_138 = vector.broadcast %broadcast_in_dim3A_137 : f32 to vector<16xf32>
    %swap3A_139 = arith.constant 480 : index
    %swap3A_140 = tpu.vector_load %arg16[%swap3A_139] {strides = array<i32>} : memref<10000xf32, #tpu.memory_space<vmem>>, vector<16xf32>,
    tpu.vector_store %arg16[%swap3A_139], %broadcast_in_dim3A_138 {strides = array<i32>} : memref<10000xf32, #tpu.memory_space<vmem>>, vector<16xf32>,
    %broadcast_in_dim3A_141 = arith.constant 0.000000e+00 : f32
    %broadcast_in_dim3A_142 = vector.broadcast %broadcast_in_dim3A_141 : f32 to vector<16xf32>
    %swap3A_143 = arith.constant 496 : index
    %swap3A_144 = tpu.vector_load %arg16[%swap3A_143] {strides = array<i32>} : memref<10000xf32, #tpu.memory_space<vmem>>, vector<16xf32>,
    tpu.vector_store %arg16[%swap3A_143], %broadcast_in_dim3A_142 {strides = array<i32>} : memref<10000xf32, #tpu.memory_space<vmem>>, vector<16xf32>,
    %broadcast_in_dim3A_145 = arith.constant 0.000000e+00 : f32
    %broadcast_in_dim3A_146 = vector.broadcast %broadcast_in_dim3A_145 : f32 to vector<16xf32>
    %swap3A_147 = arith.constant 512 : index
    %swap3A_148 = tpu.vector_load %arg16[%swap3A_147] {strides = array<i32>} : memref<10000xf32, #tpu.memory_space<vmem>>, vector<16xf32>,
    tpu.vector_store %arg16[%swap3A_147], %broadcast_in_dim3A_146 {strides = array<i32>} : memref<10000xf32, #tpu.memory_space<vmem>>, vector<16xf32>,
    %broadcast_in_dim3A_149 = arith.constant 0.000000e+00 : f32
    %broadcast_in_dim3A_150 = vector.broadcast %broadcast_in_dim3A_149 : f32 to vector<16xf32>
    %swap3A_151 = arith.constant 528 : index
    %swap3A_152 = tpu.vector_load %arg16[%swap3A_151] {strides = array<i32>} : memref<10000xf32, #tpu.memory_space<vmem>>, vector<16xf32>,
    tpu.vector_store %arg16[%swap3A_151], %broadcast_in_dim3A_150 {strides = array<i32>} : memref<10000xf32, #tpu.memory_space<vmem>>, vector<16xf32>,
    %broadcast_in_dim3A_153 = arith.constant 0.000000e+00 : f32
    %broadcast_in_dim3A_154 = vector.broadcast %broadcast_in_dim3A_153 : f32 to vector<16xf32>
    %swap3A_155 = arith.constant 544 : index
    %swap3A_156 = tpu.vector_load %arg16[%swap3A_155] {strides = array<i32>} : memref<10000xf32, #tpu.memory_space<vmem>>, vector<16xf32>,
    tpu.vector_store %arg16[%swap3A_155], %broadcast_in_dim3A_154 {strides = array<i32>} : memref<10000xf32, #tpu.memory_space<vmem>>, vector<16xf32>,
    %broadcast_in_dim3A_157 = arith.constant 0.000000e+00 : f32
    %broadcast_in_dim3A_158 = vector.broadcast %broadcast_in_dim3A_157 : f32 to vector<16xf32>
    %swap3A_159 = arith.constant 560 : index
    %swap3A_160 = tpu.vector_load %arg16[%swap3A_159] {strides = array<i32>} : memref<10000xf32, #tpu.memory_space<vmem>>, vector<16xf32>,
    tpu.vector_store %arg16[%swap3A_159], %broadcast_in_dim3A_158 {strides = array<i32>} : memref<10000xf32, #tpu.memory_space<vmem>>, vector<16xf32>,
    %broadcast_in_dim3A_161 = arith.constant 0.000000e+00 : f32
    %broadcast_in_dim3A_162 = vector.broadcast %broadcast_in_dim3A_161 : f32 to vector<16xf32>
    %swap3A_163 = arith.constant 576 : index
    %swap3A_164 = tpu.vector_load %arg16[%swap3A_163] {strides = array<i32>} : memref<10000xf32, #tpu.memory_space<vmem>>, vector<16xf32>,
    tpu.vector_store %arg16[%swap3A_163], %broadcast_in_dim3A_162 {strides = array<i32>} : memref<10000xf32, #tpu.memory_space<vmem>>, vector<16xf32>,
    %broadcast_in_dim3A_165 = arith.constant 0.000000e+00 : f32
    %broadcast_in_dim3A_166 = vector.broadcast %broadcast_in_dim3A_165 : f32 to vector<16xf32>
    %swap3A_167 = arith.constant 592 : index
    %swap3A_168 = tpu.vector_load %arg16[%swap3A_167] {strides = array<i32>} : memref<10000xf32, #tpu.memory_space<vmem>>, vector<16xf32>,
    tpu.vector_store %arg16[%swap3A_167], %broadcast_in_dim3A_166 {strides = array<i32>} : memref<10000xf32, #tpu.memory_space<vmem>>, vector<16xf32>,
    %broadcast_in_dim3A_169 = arith.constant 0.000000e+00 : f32
    %broadcast_in_dim3A_170 = vector.broadcast %broadcast_in_dim3A_169 : f32 to vector<16xf32>
    %swap3A_171 = arith.constant 608 : index
    %swap3A_172 = tpu.vector_load %arg16[%swap3A_171] {strides = array<i32>} : memref<10000xf32, #tpu.memory_space<vmem>>, vector<16xf32>,
    tpu.vector_store %arg16[%swap3A_171], %broadcast_in_dim3A_170 {strides = array<i32>} : memref<10000xf32, #tpu.memory_space<vmem>>, vector<16xf32>,
    %broadcast_in_dim3A_173 = arith.constant 0.000000e+00 : f32
    %broadcast_in_dim3A_174 = vector.broadcast %broadcast_in_dim3A_173 : f32 to vector<16xf32>
    %swap3A_175 = arith.constant 624 : index
    %swap3A_176 = tpu.vector_load %arg16[%swap3A_175] {strides = array<i32>} : memref<10000xf32, #tpu.memory_space<vmem>>, vector<16xf32>,
    tpu.vector_store %arg16[%swap3A_175], %broadcast_in_dim3A_174 {strides = array<i32>} : memref<10000xf32, #tpu.memory_space<vmem>>, vector<16xf32>,
    %mul3A_177 = arith.constant 640 : i32
    %mul3A_178 = arith.muli %arg1, %mul3A_177 : i32
    "tpu.region"() ({
      %run_scoped3A = tpu.sem_alloc : memref<!tpu.dma_semaphore, #tpu.memory_space<semaphore_mem>>
      %dma_start3A_249 = arith.constant 0 : i32
      %dma_start3A_250 = tpu.memref_slice %arg16[%dma_start3A_249] : memref<10000xf32, #tpu.memory_space<vmem>> -> memref<640xf32, #tpu.memory_space<vmem>>
      %dma_start3A_251 = tpu.memref_slice %arg18[%mul3A_178] : memref<10240xf32, #tpu.memory_space<vmem_shared>> -> memref<640xf32, #tpu.memory_space<vmem_shared>>
      %dma_start3A_252 = tpu.memref_slice %arg18[%mul3A_178] : memref<10240xf32, #tpu.memory_space<vmem_shared>> -> memref<640xf32, #tpu.memory_space<vmem_shared>>
      %dma_start3A_253 = arith.constant 0 : i32
      %dma_start3A_254 = tpu.memref_slice %arg16[%dma_start3A_253] : memref<10000xf32, #tpu.memory_space<vmem>> -> memref<640xf32, #tpu.memory_space<vmem>>
      tpu.enqueue_dma source(%dma_start3A_254 : memref<640xf32, #tpu.memory_space<vmem>>) target(%dma_start3A_252 : memref<640xf32, #tpu.memory_space<vmem_shared>>) target_semaphore(%run_scoped3A : memref<!tpu.dma_semaphore, #tpu.memory_space<semaphore_mem>>)
      %dma_wait3A_255 = arith.constant 0 : i32
      %dma_wait3A_256 = tpu.memref_slice %arg16[%dma_wait3A_255] : memref<10000xf32, #tpu.memory_space<vmem>> -> memref<640xf32, #tpu.memory_space<vmem>>
      %dma_wait3A_257 = tpu.memref_slice %arg18[%mul3A_178] : memref<10240xf32, #tpu.memory_space<vmem_shared>> -> memref<640xf32, #tpu.memory_space<vmem_shared>>
      %dma_wait3A_258 = tpu.memref_slice %arg18[%mul3A_178] : memref<10240xf32, #tpu.memory_space<vmem_shared>> -> memref<640xf32, #tpu.memory_space<vmem_shared>>
      %dma_wait3A_259 = arith.constant 0 : i32
      %dma_wait3A_260 = tpu.memref_slice %arg16[%dma_wait3A_259] : memref<10000xf32, #tpu.memory_space<vmem>> -> memref<640xf32, #tpu.memory_space<vmem>>
      tpu.wait_dma2 semaphore(%run_scoped3A : memref<!tpu.dma_semaphore, #tpu.memory_space<semaphore_mem>>) src(%dma_wait3A_260 : memref<640xf32, #tpu.memory_space<vmem>>) dst(%dma_wait3A_258 : memref<640xf32, #tpu.memory_space<vmem_shared>>)
      tpu.yield
    }) : () -> ()
    %dma_wait3A = tpu.memref_slice %arg4[%mul3A_0] : memref<160000xi32, #tpu.memory_space<hbm>> -> memref<10000xi32, #tpu.memory_space<hbm>>
    %dma_wait3A_179 = tpu.memref_slice %arg4[%mul3A_0] : memref<160000xi32, #tpu.memory_space<hbm>> -> memref<10000xi32, #tpu.memory_space<hbm>>
    tpu.wait_dma2 semaphore(%arg19 : memref<!tpu.dma_semaphore, #tpu.memory_space<semaphore_mem>>) src(%dma_wait3A_179 : memref<10000xi32, #tpu.memory_space<hbm>>) dst(%arg8 : memref<10000xi32, #tpu.memory_space<vmem>>)
    %dma_wait3A_180 = tpu.memref_slice %arg6[%mul3A_0] : memref<160000xi32, #tpu.memory_space<hbm>> -> memref<10000xi32, #tpu.memory_space<hbm>>
    %dma_wait3A_181 = tpu.memref_slice %arg6[%mul3A_0] : memref<160000xi32, #tpu.memory_space<hbm>> -> memref<10000xi32, #tpu.memory_space<hbm>>
    tpu.wait_dma2 semaphore(%arg19 : memref<!tpu.dma_semaphore, #tpu.memory_space<semaphore_mem>>) src(%dma_wait3A_181 : memref<10000xi32, #tpu.memory_space<hbm>>) dst(%arg13 : memref<10000xi32, #tpu.memory_space<vmem>>)
    tpu.wait_dma2 semaphore(%arg19 : memref<!tpu.dma_semaphore, #tpu.memory_space<semaphore_mem>>) src(%arg2 : memref<20000xf32, #tpu.memory_space<hbm>>) dst(%arg14 : memref<20000xf32, #tpu.memory_space<vmem>>)
    tpu.wait_dma2 semaphore(%arg19 : memref<!tpu.dma_semaphore, #tpu.memory_space<semaphore_mem>>) src(%arg3 : memref<32xf32, #tpu.memory_space<hbm>>) dst(%arg15 : memref<32xf32, #tpu.memory_space<vmem>>)
    %dma_wait3A_182 = tpu.memref_slice %arg5[%add3A_1] : memref<160000xi32, #tpu.memory_space<hbm>> -> memref<2560xi32, #tpu.memory_space<hbm>>
    %dma_wait3A_183 = tpu.memref_slice %arg5[%add3A_1] : memref<160000xi32, #tpu.memory_space<hbm>> -> memref<2560xi32, #tpu.memory_space<hbm>>
    tpu.wait_dma2 semaphore(%arg19 : memref<!tpu.dma_semaphore, #tpu.memory_space<semaphore_mem>>) src(%dma_wait3A_183 : memref<2560xi32, #tpu.memory_space<hbm>>) dst(%arg9 : memref<2560xi32, #tpu.memory_space<vmem>>)
    %dma_wait3A_184 = tpu.memref_slice %arg5[%add3A_3] : memref<160000xi32, #tpu.memory_space<hbm>> -> memref<2560xi32, #tpu.memory_space<hbm>>
    %dma_wait3A_185 = tpu.memref_slice %arg5[%add3A_3] : memref<160000xi32, #tpu.memory_space<hbm>> -> memref<2560xi32, #tpu.memory_space<hbm>>
    tpu.wait_dma2 semaphore(%arg19 : memref<!tpu.dma_semaphore, #tpu.memory_space<semaphore_mem>>) src(%dma_wait3A_185 : memref<2560xi32, #tpu.memory_space<hbm>>) dst(%arg10 : memref<2560xi32, #tpu.memory_space<vmem>>)
    %dma_wait3A_186 = tpu.memref_slice %arg5[%add3A_5] : memref<160000xi32, #tpu.memory_space<hbm>> -> memref<2560xi32, #tpu.memory_space<hbm>>
    %dma_wait3A_187 = tpu.memref_slice %arg5[%add3A_5] : memref<160000xi32, #tpu.memory_space<hbm>> -> memref<2560xi32, #tpu.memory_space<hbm>>
    tpu.wait_dma2 semaphore(%arg19 : memref<!tpu.dma_semaphore, #tpu.memory_space<semaphore_mem>>) src(%dma_wait3A_187 : memref<2560xi32, #tpu.memory_space<hbm>>) dst(%arg11 : memref<2560xi32, #tpu.memory_space<vmem>>)
    %dma_wait3A_188 = tpu.memref_slice %arg5[%add3A_7] : memref<160000xi32, #tpu.memory_space<hbm>> -> memref<2320xi32, #tpu.memory_space<hbm>>
    %dma_wait3A_189 = tpu.memref_slice %arg5[%add3A_7] : memref<160000xi32, #tpu.memory_space<hbm>> -> memref<2320xi32, #tpu.memory_space<hbm>>
    tpu.wait_dma2 semaphore(%arg19 : memref<!tpu.dma_semaphore, #tpu.memory_space<semaphore_mem>>) src(%dma_wait3A_189 : memref<2320xi32, #tpu.memory_space<hbm>>) dst(%arg12 : memref<2320xi32, #tpu.memory_space<vmem>>)
    %barrier3A = arith.constant 0 : index
    tpu.barrier barrier_id(%barrier3A)
    %get3A = arith.constant 16 : index
    %get3A_190 = tpu.vector_load %arg15[%get3A] {strides = array<i32>} : memref<32xf32, #tpu.memory_space<vmem>>, vector<16xf32>,
    %broadcast_in_dim3A_191 = arith.constant 10000 : i32
    %broadcast_in_dim3A_192 = vector.broadcast %broadcast_in_dim3A_191 : i32 to vector<16xi32>
    %parallel_loop3A = arith.constant 0 : i32
    %parallel_loop3A_193 = arith.constant 2560 : i32
    %parallel_loop3A_194 = arith.constant 16 : i32
    scf.for %parallel_loop3A_249 = %parallel_loop3A to %parallel_loop3A_193 step %parallel_loop3A_194  : i32 {
      %parallel_loop3A_250 = arith.index_cast %parallel_loop3A_249 : i32 to index
      %parallel_loop3A_251 = tpu.vector_load %arg9[%parallel_loop3A_250] {strides = array<i32>} : memref<2560xi32, #tpu.memory_space<vmem>>, vector<16xi32>,
      %parallel_loop3A_252 = arith.constant 0 : i32
      %parallel_loop3A_253 = arith.addi %parallel_loop3A_249, %parallel_loop3A_252 : i32
      %parallel_loop3A_254 = arith.index_cast %parallel_loop3A_253 : i32 to index
      %parallel_loop3A_255 = tpu.vector_load %arg8[%parallel_loop3A_254] {strides = array<i32>} : memref<10000xi32, #tpu.memory_space<vmem>>, vector<16xi32>,
      %parallel_loop3A_256 = arith.index_cast %parallel_loop3A_253 : i32 to index
      %parallel_loop3A_257 = tpu.vector_load %arg13[%parallel_loop3A_256] {strides = array<i32>} : memref<10000xi32, #tpu.memory_space<vmem>>, vector<16xi32>,
      %parallel_loop3A_258 = tpu.vector_load_idx %arg14[%parallel_loop3A_251] : memref<20000xf32, #tpu.memory_space<vmem>>[vector<16xi32>], vector<16xf32>,
      %parallel_loop3A_259 = arith.addi %parallel_loop3A_255, %broadcast_in_dim3A_192 : vector<16xi32>
      %parallel_loop3A_260 = tpu.vector_load_idx %arg14[%parallel_loop3A_259] : memref<20000xf32, #tpu.memory_space<vmem>>[vector<16xi32>], vector<16xf32>,
      %parallel_loop3A_261 = arith.addf %parallel_loop3A_258, %parallel_loop3A_260 : vector<16xf32>
      %parallel_loop3A_262 = tpu.vector_load_idx %arg15[%parallel_loop3A_257] : memref<32xf32, #tpu.memory_space<vmem>>[vector<16xi32>], vector<16xf32>,
      %parallel_loop3A_263 = arith.addf %parallel_loop3A_261, %parallel_loop3A_262 : vector<16xf32>
      %parallel_loop3A_264 = arith.constant 0.000000e+00 : f32
      %parallel_loop3A_265 = vector.broadcast %parallel_loop3A_264 : f32 to vector<16xf32>
      %parallel_loop3A_266 = arith.cmpf oge, %parallel_loop3A_263, %parallel_loop3A_265 : vector<16xf32>
      %parallel_loop3A_267 = arith.constant 2.000000e-01 : f32
      %parallel_loop3A_268 = vector.broadcast %parallel_loop3A_267 : f32 to vector<16xf32>
      %parallel_loop3A_269 = arith.mulf %parallel_loop3A_263, %parallel_loop3A_268 : vector<16xf32>
      %parallel_loop3A_270 = arith.select %parallel_loop3A_266, %parallel_loop3A_263, %parallel_loop3A_269 : vector<16xi1>, vector<16xf32>
      %parallel_loop3A_271 = arith.subf %parallel_loop3A_270, %get3A_190 : vector<16xf32>
      %parallel_loop3A_272 = math.exp %parallel_loop3A_271 : vector<16xf32>
      %parallel_loop3A_273 = arith.index_cast %parallel_loop3A_253 : i32 to index
      %parallel_loop3A_274 = tpu.vector_load %arg16[%parallel_loop3A_273] {strides = array<i32>} : memref<10000xf32, #tpu.memory_space<vmem>>, vector<16xf32>,
      tpu.vector_store %arg16[%parallel_loop3A_273], %parallel_loop3A_272 {strides = array<i32>} : memref<10000xf32, #tpu.memory_space<vmem>>, vector<16xf32>,
    } {sc.loop_unroll_factor = 8 : i64, sc.parallel_access}
    %dma_start3A_195 = arith.constant 0 : i32
    %dma_start3A_196 = tpu.memref_slice %arg16[%dma_start3A_195] : memref<10000xf32, #tpu.memory_space<vmem>> -> memref<2560xf32, #tpu.memory_space<vmem>>
    %dma_start3A_197 = arith.constant 0 : i32
    %dma_start3A_198 = tpu.memref_slice %arg18[%dma_start3A_197] : memref<10240xf32, #tpu.memory_space<vmem_shared>> -> memref<10240xf32, #tpu.memory_space<vmem_shared>>
    tpu.enqueue_indirect_dma source(%dma_start3A_196 : memref<2560xf32, #tpu.memory_space<vmem>>) target(%dma_start3A_198 : memref<10240xf32, #tpu.memory_space<vmem_shared>>) offsets(%arg9 : memref<2560xi32, #tpu.memory_space<vmem>>) semaphore(%arg20 : memref<!tpu.dma_semaphore, #tpu.memory_space<semaphore_mem>>) {add = true}
    %parallel_loop3A_199 = arith.constant 0 : i32
    %parallel_loop3A_200 = arith.constant 2560 : i32
    %parallel_loop3A_201 = arith.constant 16 : i32
    scf.for %parallel_loop3A_249 = %parallel_loop3A_199 to %parallel_loop3A_200 step %parallel_loop3A_201  : i32 {
      %parallel_loop3A_250 = arith.index_cast %parallel_loop3A_249 : i32 to index
      %parallel_loop3A_251 = tpu.vector_load %arg10[%parallel_loop3A_250] {strides = array<i32>} : memref<2560xi32, #tpu.memory_space<vmem>>, vector<16xi32>,
      %parallel_loop3A_252 = arith.constant 2560 : i32
      %parallel_loop3A_253 = arith.addi %parallel_loop3A_249, %parallel_loop3A_252 : i32
      %parallel_loop3A_254 = arith.index_cast %parallel_loop3A_253 : i32 to index
      %parallel_loop3A_255 = tpu.vector_load %arg8[%parallel_loop3A_254] {strides = array<i32>} : memref<10000xi32, #tpu.memory_space<vmem>>, vector<16xi32>,
      %parallel_loop3A_256 = arith.index_cast %parallel_loop3A_253 : i32 to index
      %parallel_loop3A_257 = tpu.vector_load %arg13[%parallel_loop3A_256] {strides = array<i32>} : memref<10000xi32, #tpu.memory_space<vmem>>, vector<16xi32>,
      %parallel_loop3A_258 = tpu.vector_load_idx %arg14[%parallel_loop3A_251] : memref<20000xf32, #tpu.memory_space<vmem>>[vector<16xi32>], vector<16xf32>,
      %parallel_loop3A_259 = arith.addi %parallel_loop3A_255, %broadcast_in_dim3A_192 : vector<16xi32>
      %parallel_loop3A_260 = tpu.vector_load_idx %arg14[%parallel_loop3A_259] : memref<20000xf32, #tpu.memory_space<vmem>>[vector<16xi32>], vector<16xf32>,
      %parallel_loop3A_261 = arith.addf %parallel_loop3A_258, %parallel_loop3A_260 : vector<16xf32>
      %parallel_loop3A_262 = tpu.vector_load_idx %arg15[%parallel_loop3A_257] : memref<32xf32, #tpu.memory_space<vmem>>[vector<16xi32>], vector<16xf32>,
      %parallel_loop3A_263 = arith.addf %parallel_loop3A_261, %parallel_loop3A_262 : vector<16xf32>
      %parallel_loop3A_264 = arith.constant 0.000000e+00 : f32
      %parallel_loop3A_265 = vector.broadcast %parallel_loop3A_264 : f32 to vector<16xf32>
      %parallel_loop3A_266 = arith.cmpf oge, %parallel_loop3A_263, %parallel_loop3A_265 : vector<16xf32>
      %parallel_loop3A_267 = arith.constant 2.000000e-01 : f32
      %parallel_loop3A_268 = vector.broadcast %parallel_loop3A_267 : f32 to vector<16xf32>
      %parallel_loop3A_269 = arith.mulf %parallel_loop3A_263, %parallel_loop3A_268 : vector<16xf32>
      %parallel_loop3A_270 = arith.select %parallel_loop3A_266, %parallel_loop3A_263, %parallel_loop3A_269 : vector<16xi1>, vector<16xf32>
      %parallel_loop3A_271 = arith.subf %parallel_loop3A_270, %get3A_190 : vector<16xf32>
      %parallel_loop3A_272 = math.exp %parallel_loop3A_271 : vector<16xf32>
      %parallel_loop3A_273 = arith.index_cast %parallel_loop3A_253 : i32 to index
      %parallel_loop3A_274 = tpu.vector_load %arg16[%parallel_loop3A_273] {strides = array<i32>} : memref<10000xf32, #tpu.memory_space<vmem>>, vector<16xf32>,
      tpu.vector_store %arg16[%parallel_loop3A_273], %parallel_loop3A_272 {strides = array<i32>} : memref<10000xf32, #tpu.memory_space<vmem>>, vector<16xf32>,
    } {sc.loop_unroll_factor = 8 : i64, sc.parallel_access}
    %dma_start3A_202 = arith.constant 2560 : i32
    %dma_start3A_203 = tpu.memref_slice %arg16[%dma_start3A_202] : memref<10000xf32, #tpu.memory_space<vmem>> -> memref<2560xf32, #tpu.memory_space<vmem>>
    %dma_start3A_204 = arith.constant 0 : i32
    %dma_start3A_205 = tpu.memref_slice %arg18[%dma_start3A_204] : memref<10240xf32, #tpu.memory_space<vmem_shared>> -> memref<10240xf32, #tpu.memory_space<vmem_shared>>
    tpu.enqueue_indirect_dma source(%dma_start3A_203 : memref<2560xf32, #tpu.memory_space<vmem>>) target(%dma_start3A_205 : memref<10240xf32, #tpu.memory_space<vmem_shared>>) offsets(%arg10 : memref<2560xi32, #tpu.memory_space<vmem>>) semaphore(%arg20 : memref<!tpu.dma_semaphore, #tpu.memory_space<semaphore_mem>>) {add = true}
    %parallel_loop3A_206 = arith.constant 0 : i32
    %parallel_loop3A_207 = arith.constant 2560 : i32
    %parallel_loop3A_208 = arith.constant 16 : i32
    scf.for %parallel_loop3A_249 = %parallel_loop3A_206 to %parallel_loop3A_207 step %parallel_loop3A_208  : i32 {
      %parallel_loop3A_250 = arith.index_cast %parallel_loop3A_249 : i32 to index
      %parallel_loop3A_251 = tpu.vector_load %arg11[%parallel_loop3A_250] {strides = array<i32>} : memref<2560xi32, #tpu.memory_space<vmem>>, vector<16xi32>,
      %parallel_loop3A_252 = arith.constant 5120 : i32
      %parallel_loop3A_253 = arith.addi %parallel_loop3A_249, %parallel_loop3A_252 : i32
      %parallel_loop3A_254 = arith.index_cast %parallel_loop3A_253 : i32 to index
      %parallel_loop3A_255 = tpu.vector_load %arg8[%parallel_loop3A_254] {strides = array<i32>} : memref<10000xi32, #tpu.memory_space<vmem>>, vector<16xi32>,
      %parallel_loop3A_256 = arith.index_cast %parallel_loop3A_253 : i32 to index
      %parallel_loop3A_257 = tpu.vector_load %arg13[%parallel_loop3A_256] {strides = array<i32>} : memref<10000xi32, #tpu.memory_space<vmem>>, vector<16xi32>,
      %parallel_loop3A_258 = tpu.vector_load_idx %arg14[%parallel_loop3A_251] : memref<20000xf32, #tpu.memory_space<vmem>>[vector<16xi32>], vector<16xf32>,
      %parallel_loop3A_259 = arith.addi %parallel_loop3A_255, %broadcast_in_dim3A_192 : vector<16xi32>
      %parallel_loop3A_260 = tpu.vector_load_idx %arg14[%parallel_loop3A_259] : memref<20000xf32, #tpu.memory_space<vmem>>[vector<16xi32>], vector<16xf32>,
      %parallel_loop3A_261 = arith.addf %parallel_loop3A_258, %parallel_loop3A_260 : vector<16xf32>
      %parallel_loop3A_262 = tpu.vector_load_idx %arg15[%parallel_loop3A_257] : memref<32xf32, #tpu.memory_space<vmem>>[vector<16xi32>], vector<16xf32>,
      %parallel_loop3A_263 = arith.addf %parallel_loop3A_261, %parallel_loop3A_262 : vector<16xf32>
      %parallel_loop3A_264 = arith.constant 0.000000e+00 : f32
      %parallel_loop3A_265 = vector.broadcast %parallel_loop3A_264 : f32 to vector<16xf32>
      %parallel_loop3A_266 = arith.cmpf oge, %parallel_loop3A_263, %parallel_loop3A_265 : vector<16xf32>
      %parallel_loop3A_267 = arith.constant 2.000000e-01 : f32
      %parallel_loop3A_268 = vector.broadcast %parallel_loop3A_267 : f32 to vector<16xf32>
      %parallel_loop3A_269 = arith.mulf %parallel_loop3A_263, %parallel_loop3A_268 : vector<16xf32>
      %parallel_loop3A_270 = arith.select %parallel_loop3A_266, %parallel_loop3A_263, %parallel_loop3A_269 : vector<16xi1>, vector<16xf32>
      %parallel_loop3A_271 = arith.subf %parallel_loop3A_270, %get3A_190 : vector<16xf32>
      %parallel_loop3A_272 = math.exp %parallel_loop3A_271 : vector<16xf32>
      %parallel_loop3A_273 = arith.index_cast %parallel_loop3A_253 : i32 to index
      %parallel_loop3A_274 = tpu.vector_load %arg16[%parallel_loop3A_273] {strides = array<i32>} : memref<10000xf32, #tpu.memory_space<vmem>>, vector<16xf32>,
      tpu.vector_store %arg16[%parallel_loop3A_273], %parallel_loop3A_272 {strides = array<i32>} : memref<10000xf32, #tpu.memory_space<vmem>>, vector<16xf32>,
    } {sc.loop_unroll_factor = 8 : i64, sc.parallel_access}
    %dma_start3A_209 = arith.constant 5120 : i32
    %dma_start3A_210 = tpu.memref_slice %arg16[%dma_start3A_209] : memref<10000xf32, #tpu.memory_space<vmem>> -> memref<2560xf32, #tpu.memory_space<vmem>>
    %dma_start3A_211 = arith.constant 0 : i32
    %dma_start3A_212 = tpu.memref_slice %arg18[%dma_start3A_211] : memref<10240xf32, #tpu.memory_space<vmem_shared>> -> memref<10240xf32, #tpu.memory_space<vmem_shared>>
    tpu.enqueue_indirect_dma source(%dma_start3A_210 : memref<2560xf32, #tpu.memory_space<vmem>>) target(%dma_start3A_212 : memref<10240xf32, #tpu.memory_space<vmem_shared>>) offsets(%arg11 : memref<2560xi32, #tpu.memory_space<vmem>>) semaphore(%arg20 : memref<!tpu.dma_semaphore, #tpu.memory_space<semaphore_mem>>) {add = true}
    %parallel_loop3A_213 = arith.constant 0 : i32
    %parallel_loop3A_214 = arith.constant 2320 : i32
    %parallel_loop3A_215 = arith.constant 16 : i32
    scf.for %parallel_loop3A_249 = %parallel_loop3A_213 to %parallel_loop3A_214 step %parallel_loop3A_215  : i32 {
      %parallel_loop3A_250 = arith.index_cast %parallel_loop3A_249 : i32 to index
      %parallel_loop3A_251 = tpu.vector_load %arg12[%parallel_loop3A_250] {strides = array<i32>} : memref<2320xi32, #tpu.memory_space<vmem>>, vector<16xi32>,
      %parallel_loop3A_252 = arith.constant 7680 : i32
      %parallel_loop3A_253 = arith.addi %parallel_loop3A_249, %parallel_loop3A_252 : i32
      %parallel_loop3A_254 = arith.index_cast %parallel_loop3A_253 : i32 to index
      %parallel_loop3A_255 = tpu.vector_load %arg8[%parallel_loop3A_254] {strides = array<i32>} : memref<10000xi32, #tpu.memory_space<vmem>>, vector<16xi32>,
      %parallel_loop3A_256 = arith.index_cast %parallel_loop3A_253 : i32 to index
      %parallel_loop3A_257 = tpu.vector_load %arg13[%parallel_loop3A_256] {strides = array<i32>} : memref<10000xi32, #tpu.memory_space<vmem>>, vector<16xi32>,
      %parallel_loop3A_258 = tpu.vector_load_idx %arg14[%parallel_loop3A_251] : memref<20000xf32, #tpu.memory_space<vmem>>[vector<16xi32>], vector<16xf32>,
      %parallel_loop3A_259 = arith.addi %parallel_loop3A_255, %broadcast_in_dim3A_192 : vector<16xi32>
      %parallel_loop3A_260 = tpu.vector_load_idx %arg14[%parallel_loop3A_259] : memref<20000xf32, #tpu.memory_space<vmem>>[vector<16xi32>], vector<16xf32>,
      %parallel_loop3A_261 = arith.addf %parallel_loop3A_258, %parallel_loop3A_260 : vector<16xf32>
      %parallel_loop3A_262 = tpu.vector_load_idx %arg15[%parallel_loop3A_257] : memref<32xf32, #tpu.memory_space<vmem>>[vector<16xi32>], vector<16xf32>,
      %parallel_loop3A_263 = arith.addf %parallel_loop3A_261, %parallel_loop3A_262 : vector<16xf32>
      %parallel_loop3A_264 = arith.constant 0.000000e+00 : f32
      %parallel_loop3A_265 = vector.broadcast %parallel_loop3A_264 : f32 to vector<16xf32>
      %parallel_loop3A_266 = arith.cmpf oge, %parallel_loop3A_263, %parallel_loop3A_265 : vector<16xf32>
      %parallel_loop3A_267 = arith.constant 2.000000e-01 : f32
      %parallel_loop3A_268 = vector.broadcast %parallel_loop3A_267 : f32 to vector<16xf32>
      %parallel_loop3A_269 = arith.mulf %parallel_loop3A_263, %parallel_loop3A_268 : vector<16xf32>
      %parallel_loop3A_270 = arith.select %parallel_loop3A_266, %parallel_loop3A_263, %parallel_loop3A_269 : vector<16xi1>, vector<16xf32>
      %parallel_loop3A_271 = arith.subf %parallel_loop3A_270, %get3A_190 : vector<16xf32>
      %parallel_loop3A_272 = math.exp %parallel_loop3A_271 : vector<16xf32>
      %parallel_loop3A_273 = arith.index_cast %parallel_loop3A_253 : i32 to index
      %parallel_loop3A_274 = tpu.vector_load %arg16[%parallel_loop3A_273] {strides = array<i32>} : memref<10000xf32, #tpu.memory_space<vmem>>, vector<16xf32>,
      tpu.vector_store %arg16[%parallel_loop3A_273], %parallel_loop3A_272 {strides = array<i32>} : memref<10000xf32, #tpu.memory_space<vmem>>, vector<16xf32>,
    } {sc.loop_unroll_factor = 8 : i64, sc.parallel_access}
    %dma_start3A_216 = arith.constant 7680 : i32
    %dma_start3A_217 = tpu.memref_slice %arg16[%dma_start3A_216] : memref<10000xf32, #tpu.memory_space<vmem>> -> memref<2320xf32, #tpu.memory_space<vmem>>
    %dma_start3A_218 = arith.constant 0 : i32
    %dma_start3A_219 = tpu.memref_slice %arg18[%dma_start3A_218] : memref<10240xf32, #tpu.memory_space<vmem_shared>> -> memref<10240xf32, #tpu.memory_space<vmem_shared>>
    tpu.enqueue_indirect_dma source(%dma_start3A_217 : memref<2320xf32, #tpu.memory_space<vmem>>) target(%dma_start3A_219 : memref<10240xf32, #tpu.memory_space<vmem_shared>>) offsets(%arg12 : memref<2320xi32, #tpu.memory_space<vmem>>) semaphore(%arg20 : memref<!tpu.dma_semaphore, #tpu.memory_space<semaphore_mem>>) {add = true}
    %dma_wait3A_220 = arith.constant 0 : i32
    %dma_wait3A_221 = tpu.memref_slice %arg16[%dma_wait3A_220] : memref<10000xf32, #tpu.memory_space<vmem>> -> memref<2560xf32, #tpu.memory_space<vmem>>
    %dma_wait3A_222 = arith.constant 0 : i32
    %dma_wait3A_223 = tpu.memref_slice %arg18[%dma_wait3A_222] : memref<10240xf32, #tpu.memory_space<vmem_shared>> -> memref<10240xf32, #tpu.memory_space<vmem_shared>>
    tpu.wait_indirect_dma semaphore(%arg20 : memref<!tpu.dma_semaphore, #tpu.memory_space<semaphore_mem>>) src(%dma_wait3A_221 : memref<2560xf32, #tpu.memory_space<vmem>>) dst(%dma_wait3A_223 : memref<10240xf32, #tpu.memory_space<vmem_shared>>)
    %dma_wait3A_224 = arith.constant 2560 : i32
    %dma_wait3A_225 = tpu.memref_slice %arg16[%dma_wait3A_224] : memref<10000xf32, #tpu.memory_space<vmem>> -> memref<2560xf32, #tpu.memory_space<vmem>>
    %dma_wait3A_226 = arith.constant 0 : i32
    %dma_wait3A_227 = tpu.memref_slice %arg18[%dma_wait3A_226] : memref<10240xf32, #tpu.memory_space<vmem_shared>> -> memref<10240xf32, #tpu.memory_space<vmem_shared>>
    tpu.wait_indirect_dma semaphore(%arg20 : memref<!tpu.dma_semaphore, #tpu.memory_space<semaphore_mem>>) src(%dma_wait3A_225 : memref<2560xf32, #tpu.memory_space<vmem>>) dst(%dma_wait3A_227 : memref<10240xf32, #tpu.memory_space<vmem_shared>>)
    %dma_wait3A_228 = arith.constant 5120 : i32
    %dma_wait3A_229 = tpu.memref_slice %arg16[%dma_wait3A_228] : memref<10000xf32, #tpu.memory_space<vmem>> -> memref<2560xf32, #tpu.memory_space<vmem>>
    %dma_wait3A_230 = arith.constant 0 : i32
    %dma_wait3A_231 = tpu.memref_slice %arg18[%dma_wait3A_230] : memref<10240xf32, #tpu.memory_space<vmem_shared>> -> memref<10240xf32, #tpu.memory_space<vmem_shared>>
    tpu.wait_indirect_dma semaphore(%arg20 : memref<!tpu.dma_semaphore, #tpu.memory_space<semaphore_mem>>) src(%dma_wait3A_229 : memref<2560xf32, #tpu.memory_space<vmem>>) dst(%dma_wait3A_231 : memref<10240xf32, #tpu.memory_space<vmem_shared>>)
    %dma_wait3A_232 = arith.constant 7680 : i32
    %dma_wait3A_233 = tpu.memref_slice %arg16[%dma_wait3A_232] : memref<10000xf32, #tpu.memory_space<vmem>> -> memref<2320xf32, #tpu.memory_space<vmem>>
    %dma_wait3A_234 = arith.constant 0 : i32
    %dma_wait3A_235 = tpu.memref_slice %arg18[%dma_wait3A_234] : memref<10240xf32, #tpu.memory_space<vmem_shared>> -> memref<10240xf32, #tpu.memory_space<vmem_shared>>
    tpu.wait_indirect_dma semaphore(%arg20 : memref<!tpu.dma_semaphore, #tpu.memory_space<semaphore_mem>>) src(%dma_wait3A_233 : memref<2320xf32, #tpu.memory_space<vmem>>) dst(%dma_wait3A_235 : memref<10240xf32, #tpu.memory_space<vmem_shared>>)
    %barrier3A_236 = arith.constant 0 : index
    tpu.barrier barrier_id(%barrier3A_236)
    "tpu.region"() ({
      %run_scoped3A = tpu.sem_alloc : memref<!tpu.dma_semaphore, #tpu.memory_space<semaphore_mem>>
      tpu.enqueue_dma source(%arg18 : memref<10240xf32, #tpu.memory_space<vmem_shared>>) target(%arg17 : memref<10240xf32, #tpu.memory_space<vmem>>) target_semaphore(%run_scoped3A : memref<!tpu.dma_semaphore, #tpu.memory_space<semaphore_mem>>)
      tpu.wait_dma2 semaphore(%run_scoped3A : memref<!tpu.dma_semaphore, #tpu.memory_space<semaphore_mem>>) src(%arg18 : memref<10240xf32, #tpu.memory_space<vmem_shared>>) dst(%arg17 : memref<10240xf32, #tpu.memory_space<vmem>>)
      tpu.yield
    }) : () -> ()
    %parallel_loop3A_237 = arith.constant 0 : i32
    %parallel_loop3A_238 = arith.constant 2560 : i32
    %parallel_loop3A_239 = arith.constant 16 : i32
    scf.for %parallel_loop3A_249 = %parallel_loop3A_237 to %parallel_loop3A_238 step %parallel_loop3A_239  : i32 {
      %parallel_loop3A_250 = arith.index_cast %parallel_loop3A_249 : i32 to index
      %parallel_loop3A_251 = tpu.vector_load %arg9[%parallel_loop3A_250] {strides = array<i32>} : memref<2560xi32, #tpu.memory_space<vmem>>, vector<16xi32>,
      %parallel_loop3A_252 = arith.constant 0 : i32
      %parallel_loop3A_253 = arith.addi %parallel_loop3A_249, %parallel_loop3A_252 : i32
      %parallel_loop3A_254 = tpu.vector_load_idx %arg17[%parallel_loop3A_251] : memref<10240xf32, #tpu.memory_space<vmem>>[vector<16xi32>], vector<16xf32>,
      %parallel_loop3A_255 = arith.constant 1.000000e-15 : f32
      %parallel_loop3A_256 = vector.broadcast %parallel_loop3A_255 : f32 to vector<16xf32>
      %parallel_loop3A_257 = arith.maximumf %parallel_loop3A_254, %parallel_loop3A_256 : vector<16xf32>
      %parallel_loop3A_258 = arith.index_cast %parallel_loop3A_253 : i32 to index
      %parallel_loop3A_259 = tpu.vector_load %arg16[%parallel_loop3A_258] {strides = array<i32>} : memref<10000xf32, #tpu.memory_space<vmem>>, vector<16xf32>,
      %parallel_loop3A_260 = arith.divf %parallel_loop3A_259, %parallel_loop3A_257 : vector<16xf32>
      %parallel_loop3A_261 = arith.index_cast %parallel_loop3A_253 : i32 to index
      %parallel_loop3A_262 = tpu.vector_load %arg16[%parallel_loop3A_261] {strides = array<i32>} : memref<10000xf32, #tpu.memory_space<vmem>>, vector<16xf32>,
      tpu.vector_store %arg16[%parallel_loop3A_261], %parallel_loop3A_260 {strides = array<i32>} : memref<10000xf32, #tpu.memory_space<vmem>>, vector<16xf32>,
    } {sc.loop_unroll_factor = 8 : i64, sc.parallel_access}
    %parallel_loop3A_240 = arith.constant 0 : i32
    %parallel_loop3A_241 = arith.constant 2560 : i32
    %parallel_loop3A_242 = arith.constant 16 : i32
    scf.for %parallel_loop3A_249 = %parallel_loop3A_240 to %parallel_loop3A_241 step %parallel_loop3A_242  : i32 {
      %parallel_loop3A_250 = arith.index_cast %parallel_loop3A_249 : i32 to index
      %parallel_loop3A_251 = tpu.vector_load %arg10[%parallel_loop3A_250] {strides = array<i32>} : memref<2560xi32, #tpu.memory_space<vmem>>, vector<16xi32>,
      %parallel_loop3A_252 = arith.constant 2560 : i32
      %parallel_loop3A_253 = arith.addi %parallel_loop3A_249, %parallel_loop3A_252 : i32
      %parallel_loop3A_254 = tpu.vector_load_idx %arg17[%parallel_loop3A_251] : memref<10240xf32, #tpu.memory_space<vmem>>[vector<16xi32>], vector<16xf32>,
      %parallel_loop3A_255 = arith.constant 1.000000e-15 : f32
      %parallel_loop3A_256 = vector.broadcast %parallel_loop3A_255 : f32 to vector<16xf32>
      %parallel_loop3A_257 = arith.maximumf %parallel_loop3A_254, %parallel_loop3A_256 : vector<16xf32>
      %parallel_loop3A_258 = arith.index_cast %parallel_loop3A_253 : i32 to index
      %parallel_loop3A_259 = tpu.vector_load %arg16[%parallel_loop3A_258] {strides = array<i32>} : memref<10000xf32, #tpu.memory_space<vmem>>, vector<16xf32>,
      %parallel_loop3A_260 = arith.divf %parallel_loop3A_259, %parallel_loop3A_257 : vector<16xf32>
      %parallel_loop3A_261 = arith.index_cast %parallel_loop3A_253 : i32 to index
      %parallel_loop3A_262 = tpu.vector_load %arg16[%parallel_loop3A_261] {strides = array<i32>} : memref<10000xf32, #tpu.memory_space<vmem>>, vector<16xf32>,
      tpu.vector_store %arg16[%parallel_loop3A_261], %parallel_loop3A_260 {strides = array<i32>} : memref<10000xf32, #tpu.memory_space<vmem>>, vector<16xf32>,
    } {sc.loop_unroll_factor = 8 : i64, sc.parallel_access}
    %parallel_loop3A_243 = arith.constant 0 : i32
    %parallel_loop3A_244 = arith.constant 2560 : i32
    %parallel_loop3A_245 = arith.constant 16 : i32
    scf.for %parallel_loop3A_249 = %parallel_loop3A_243 to %parallel_loop3A_244 step %parallel_loop3A_245  : i32 {
      %parallel_loop3A_250 = arith.index_cast %parallel_loop3A_249 : i32 to index
      %parallel_loop3A_251 = tpu.vector_load %arg11[%parallel_loop3A_250] {strides = array<i32>} : memref<2560xi32, #tpu.memory_space<vmem>>, vector<16xi32>,
      %parallel_loop3A_252 = arith.constant 5120 : i32
      %parallel_loop3A_253 = arith.addi %parallel_loop3A_249, %parallel_loop3A_252 : i32
      %parallel_loop3A_254 = tpu.vector_load_idx %arg17[%parallel_loop3A_251] : memref<10240xf32, #tpu.memory_space<vmem>>[vector<16xi32>], vector<16xf32>,
      %parallel_loop3A_255 = arith.constant 1.000000e-15 : f32
      %parallel_loop3A_256 = vector.broadcast %parallel_loop3A_255 : f32 to vector<16xf32>
      %parallel_loop3A_257 = arith.maximumf %parallel_loop3A_254, %parallel_loop3A_256 : vector<16xf32>
      %parallel_loop3A_258 = arith.index_cast %parallel_loop3A_253 : i32 to index
      %parallel_loop3A_259 = tpu.vector_load %arg16[%parallel_loop3A_258] {strides = array<i32>} : memref<10000xf32, #tpu.memory_space<vmem>>, vector<16xf32>,
      %parallel_loop3A_260 = arith.divf %parallel_loop3A_259, %parallel_loop3A_257 : vector<16xf32>
      %parallel_loop3A_261 = arith.index_cast %parallel_loop3A_253 : i32 to index
      %parallel_loop3A_262 = tpu.vector_load %arg16[%parallel_loop3A_261] {strides = array<i32>} : memref<10000xf32, #tpu.memory_space<vmem>>, vector<16xf32>,
      tpu.vector_store %arg16[%parallel_loop3A_261], %parallel_loop3A_260 {strides = array<i32>} : memref<10000xf32, #tpu.memory_space<vmem>>, vector<16xf32>,
    } {sc.loop_unroll_factor = 8 : i64, sc.parallel_access}
    %parallel_loop3A_246 = arith.constant 0 : i32
    %parallel_loop3A_247 = arith.constant 2320 : i32
    %parallel_loop3A_248 = arith.constant 16 : i32
    scf.for %parallel_loop3A_249 = %parallel_loop3A_246 to %parallel_loop3A_247 step %parallel_loop3A_248  : i32 {
      %parallel_loop3A_250 = arith.index_cast %parallel_loop3A_249 : i32 to index
      %parallel_loop3A_251 = tpu.vector_load %arg12[%parallel_loop3A_250] {strides = array<i32>} : memref<2320xi32, #tpu.memory_space<vmem>>, vector<16xi32>,
      %parallel_loop3A_252 = arith.constant 7680 : i32
      %parallel_loop3A_253 = arith.addi %parallel_loop3A_249, %parallel_loop3A_252 : i32
      %parallel_loop3A_254 = tpu.vector_load_idx %arg17[%parallel_loop3A_251] : memref<10240xf32, #tpu.memory_space<vmem>>[vector<16xi32>], vector<16xf32>,
      %parallel_loop3A_255 = arith.constant 1.000000e-15 : f32
      %parallel_loop3A_256 = vector.broadcast %parallel_loop3A_255 : f32 to vector<16xf32>
      %parallel_loop3A_257 = arith.maximumf %parallel_loop3A_254, %parallel_loop3A_256 : vector<16xf32>
      %parallel_loop3A_258 = arith.index_cast %parallel_loop3A_253 : i32 to index
      %parallel_loop3A_259 = tpu.vector_load %arg16[%parallel_loop3A_258] {strides = array<i32>} : memref<10000xf32, #tpu.memory_space<vmem>>, vector<16xf32>,
      %parallel_loop3A_260 = arith.divf %parallel_loop3A_259, %parallel_loop3A_257 : vector<16xf32>
      %parallel_loop3A_261 = arith.index_cast %parallel_loop3A_253 : i32 to index
      %parallel_loop3A_262 = tpu.vector_load %arg16[%parallel_loop3A_261] {strides = array<i32>} : memref<10000xf32, #tpu.memory_space<vmem>>, vector<16xf32>,
      tpu.vector_store %arg16[%parallel_loop3A_261], %parallel_loop3A_260 {strides = array<i32>} : memref<10000xf32, #tpu.memory_space<vmem>>, vector<16xf32>,
    } {sc.loop_unroll_factor = 8 : i64, sc.parallel_access}
    "tpu.region"() ({
      %run_scoped3A = tpu.sem_alloc : memref<!tpu.dma_semaphore, #tpu.memory_space<semaphore_mem>>
      %dma_start3A_249 = tpu.memref_slice %arg7[%mul3A_0] : memref<160000xf32, #tpu.memory_space<hbm>> -> memref<10000xf32, #tpu.memory_space<hbm>>
      %dma_start3A_250 = tpu.memref_slice %arg7[%mul3A_0] : memref<160000xf32, #tpu.memory_space<hbm>> -> memref<10000xf32, #tpu.memory_space<hbm>>
      tpu.enqueue_dma source(%arg16 : memref<10000xf32, #tpu.memory_space<vmem>>) target(%dma_start3A_250 : memref<10000xf32, #tpu.memory_space<hbm>>) target_semaphore(%run_scoped3A : memref<!tpu.dma_semaphore, #tpu.memory_space<semaphore_mem>>)
      %dma_wait3A_251 = tpu.memref_slice %arg7[%mul3A_0] : memref<160000xf32, #tpu.memory_space<hbm>> -> memref<10000xf32, #tpu.memory_space<hbm>>
      %dma_wait3A_252 = tpu.memref_slice %arg7[%mul3A_0] : memref<160000xf32, #tpu.memory_space<hbm>> -> memref<10000xf32, #tpu.memory_space<hbm>>
      tpu.wait_dma2 semaphore(%run_scoped3A : memref<!tpu.dma_semaphore, #tpu.memory_space<semaphore_mem>>) src(%arg16 : memref<10000xf32, #tpu.memory_space<vmem>>) dst(%dma_wait3A_252 : memref<10000xf32, #tpu.memory_space<hbm>>)
      tpu.yield
    }) : () -> ()
    return
  }
}

module attributes {stable_mosaic.version = 14 : i64} {
  func.func @_node_stage(%arg0: memref<10000x256xf32, #tpu.memory_space<vmem>>, %arg1: memref<512x256xf32, #tpu.memory_space<vmem>>, %arg2: memref<512x256xf32, #tpu.memory_space<vmem>>, %arg3: memref<512x16xf32, #tpu.memory_space<vmem>>, %arg4: memref<16x16xf32, #tpu.memory_space<vmem>>, %arg5: memref<1x1536xf32, #tpu.memory_space<vmem>>, %arg6: memref<2x160000xi32, #tpu.memory_space<vmem>>, %arg7: memref<2x10000xf32, #tpu.memory_space<vmem>>, %arg8: memref<2x16xf32, #tpu.memory_space<vmem>>, %arg9: memref<160000xi32, #tpu.memory_space<vmem>>, %arg10: memref<160000xi32, #tpu.memory_space<vmem>>) attributes {dimension_semantics = [], scalar_prefetch = 0 : i64, scratch_operands = 0 : i64, tpu.core_type = #tpu.core_type<tc>} {
    %get3A = arith.constant 0 : index
    %get3A_0 = arith.constant 0 : index
    %get3A_1 = vector.load %arg5[%get3A, %get3A_0] : memref<1x1536xf32, #tpu.memory_space<vmem>>, vector<1x1536xf32>
    %slice3A = vector.extract_strided_slice %get3A_1 {offsets = [0, 0], sizes = [1, 512], strides = [1, 1]} : vector<1x1536xf32> to vector<1x512xf32>
    %slice3A_2 = vector.extract_strided_slice %get3A_1 {offsets = [0, 512], sizes = [1, 512], strides = [1, 1]} : vector<1x1536xf32> to vector<1x512xf32>
    %slice3A_3 = vector.extract_strided_slice %get3A_1 {offsets = [0, 1024], sizes = [1, 512], strides = [1, 1]} : vector<1x1536xf32> to vector<1x512xf32>
    %get3A_4 = arith.constant 0 : index
    %get3A_5 = arith.constant 0 : index
    %get3A_6 = vector.load %arg1[%get3A_4, %get3A_5] : memref<512x256xf32, #tpu.memory_space<vmem>>, vector<512x256xf32>
    %dot_general3A = arith.constant dense<0.000000e+00> : vector<1x256xf32>
    %dot_general3A_7 = tpu.matmul %slice3A, %get3A_6, %dot_general3A {dimension_numbers = #tpu.dot_dimension_numbers<[1], [0], [0], [1], [0, 0, 1, 1], [], []>, transpose_lhs_hint = false} : vector<1x512xf32>, vector<512x256xf32>, vector<1x256xf32> -> vector<1x256xf32>
    %get3A_8 = arith.constant 0 : index
    %get3A_9 = arith.constant 0 : index
    %get3A_10 = vector.load %arg2[%get3A_8, %get3A_9] : memref<512x256xf32, #tpu.memory_space<vmem>>, vector<512x256xf32>
    %dot_general3A_11 = arith.constant dense<0.000000e+00> : vector<1x256xf32>
    %dot_general3A_12 = tpu.matmul %slice3A_2, %get3A_10, %dot_general3A_11 {dimension_numbers = #tpu.dot_dimension_numbers<[1], [0], [0], [1], [0, 0, 1, 1], [], []>, transpose_lhs_hint = false} : vector<1x512xf32>, vector<512x256xf32>, vector<1x256xf32> -> vector<1x256xf32>
    %concatenate3A = tpu.concatenate %dot_general3A_7, %dot_general3A_12 in 0 : vector<1x256xf32>, vector<1x256xf32> -> vector<2x256xf32>
    %get3A_13 = arith.constant 0 : index
    %get3A_14 = arith.constant 0 : index
    %get3A_15 = vector.load %arg0[%get3A_13, %get3A_14] : memref<10000x256xf32, #tpu.memory_space<vmem>>, vector<10000x256xf32>
    %dot_general3A_16 = arith.constant dense<0.000000e+00> : vector<2x10000xf32>
    %dot_general3A_17 = tpu.matmul %concatenate3A, %get3A_15, %dot_general3A_16 {dimension_numbers = #tpu.dot_dimension_numbers<[1], [1], [0], [0], [0, 0, 1, 0], [], []>, transpose_lhs_hint = false} : vector<2x256xf32>, vector<10000x256xf32>, vector<2x10000xf32> -> vector<2x10000xf32>
    %swap3A = arith.constant 0 : index
    %swap3A_18 = arith.constant 0 : index
    %swap3A_19 = vector.load %arg7[%swap3A, %swap3A_18] : memref<2x10000xf32, #tpu.memory_space<vmem>>, vector<2x10000xf32>
    tpu.vector_store %arg7[%swap3A, %swap3A_18], %dot_general3A_17 {strides = array<i32>} : memref<2x10000xf32, #tpu.memory_space<vmem>>, vector<2x10000xf32>,
    %get3A_20 = arith.constant 0 : index
    %get3A_21 = arith.constant 0 : index
    %get3A_22 = vector.load %arg3[%get3A_20, %get3A_21] : memref<512x16xf32, #tpu.memory_space<vmem>>, vector<512x16xf32>
    %dot_general3A_23 = arith.constant dense<0.000000e+00> : vector<1x16xf32>
    %dot_general3A_24 = tpu.matmul %slice3A_3, %get3A_22, %dot_general3A_23 {dimension_numbers = #tpu.dot_dimension_numbers<[1], [0], [0], [1], [0, 0, 1, 1], [], []>, transpose_lhs_hint = false} : vector<1x512xf32>, vector<512x16xf32>, vector<1x16xf32> -> vector<1x16xf32>
    %get3A_25 = arith.constant 0 : index
    %get3A_26 = arith.constant 0 : index
    %get3A_27 = vector.load %arg4[%get3A_25, %get3A_26] : memref<16x16xf32, #tpu.memory_space<vmem>>, vector<16x16xf32>
    %dot_general3A_28 = arith.constant dense<0.000000e+00> : vector<1x16xf32>
    %dot_general3A_29 = tpu.matmul %dot_general3A_24, %get3A_27, %dot_general3A_28 {dimension_numbers = #tpu.dot_dimension_numbers<[1], [1], [0], [0], [0, 0, 1, 0], [], []>, transpose_lhs_hint = false} : vector<1x16xf32>, vector<16x16xf32>, vector<1x16xf32> -> vector<1x16xf32>
    %reduce_max3A = vector.shape_cast %dot_general3A_17 : vector<2x10000xf32> to vector<1x2x10000xf32>
    %reduce_max3A_30 = arith.constant dense<0xFF800000> : vector<1xf32>
    %reduce_max3A_31 = vector.multi_reduction <maximumf>, %reduce_max3A, %reduce_max3A_30 [1, 2] : vector<1x2x10000xf32> to vector<1xf32>
    %reduce_max3A_32 = vector.shape_cast %reduce_max3A_31 : vector<1xf32> to vector<1x1x1xf32>
    %reduce_max3A_33 = vector.extract %reduce_max3A_32[0, 0, 0] : f32 from vector<1x1x1xf32>
    %mul3A = arith.constant 2.000000e+00 : f32
    %mul3A_34 = arith.mulf %mul3A, %reduce_max3A_33 : f32
    %reduce_max3A_35 = vector.shape_cast %dot_general3A_29 : vector<1x16xf32> to vector<1x1x16xf32>
    %reduce_max3A_36 = arith.constant dense<0xFF800000> : vector<1xf32>
    %reduce_max3A_37 = vector.multi_reduction <maximumf>, %reduce_max3A_35, %reduce_max3A_36 [1, 2] : vector<1x1x16xf32> to vector<1xf32>
    %reduce_max3A_38 = vector.shape_cast %reduce_max3A_37 : vector<1xf32> to vector<1x1x1xf32>
    %reduce_max3A_39 = vector.extract %reduce_max3A_38[0, 0, 0] : f32 from vector<1x1x1xf32>
    %add3A = arith.addf %mul3A_34, %reduce_max3A_39 : f32
    %swap3A_40 = arith.constant 0 : index
    %swap3A_41 = arith.constant 0 : index
    %swap3A_42 = vector.load %arg8[%swap3A_40, %swap3A_41] : memref<2x16xf32, #tpu.memory_space<vmem>>, vector<1x16xf32>
    tpu.vector_store %arg8[%swap3A_40, %swap3A_41], %dot_general3A_29 {strides = array<i32>} : memref<2x16xf32, #tpu.memory_space<vmem>>, vector<1x16xf32>,
    %broadcast_in_dim3A = vector.broadcast %add3A : f32 to vector<1x16xf32>
    %swap3A_43 = arith.constant 1 : index
    %swap3A_44 = arith.constant 0 : index
    %swap3A_45 = vector.load %arg8[%swap3A_43, %swap3A_44] : memref<2x16xf32, #tpu.memory_space<vmem>>, vector<1x16xf32>
    tpu.vector_store %arg8[%swap3A_43, %swap3A_44], %broadcast_in_dim3A {strides = array<i32>} : memref<2x16xf32, #tpu.memory_space<vmem>>, vector<1x16xf32>,
    %get3A_46 = arith.constant 0 : index
    %get3A_47 = arith.constant 0 : index
    %get3A_48 = vector.load %arg6[%get3A_46, %get3A_47] : memref<2x160000xi32, #tpu.memory_space<vmem>>, vector<1x160000xi32>
    %get3A_49 = vector.shape_cast %get3A_48 : vector<1x160000xi32> to vector<160000xi32>
    %swap3A_50 = arith.constant 0 : index
    %swap3A_51 = vector.load %arg9[%swap3A_50] : memref<160000xi32, #tpu.memory_space<vmem>>, vector<160000xi32>
    tpu.vector_store %arg9[%swap3A_50], %get3A_49 {strides = array<i32>} : memref<160000xi32, #tpu.memory_space<vmem>>, vector<160000xi32>,
    %get3A_52 = arith.constant 1 : index
    %get3A_53 = arith.constant 0 : index
    %get3A_54 = vector.load %arg6[%get3A_52, %get3A_53] : memref<2x160000xi32, #tpu.memory_space<vmem>>, vector<1x160000xi32>
    %get3A_55 = vector.shape_cast %get3A_54 : vector<1x160000xi32> to vector<160000xi32>
    %swap3A_56 = arith.constant 0 : index
    %swap3A_57 = vector.load %arg10[%swap3A_56] : memref<160000xi32, #tpu.memory_space<vmem>>, vector<160000xi32>
    tpu.vector_store %arg10[%swap3A_56], %get3A_55 {strides = array<i32>} : memref<160000xi32, #tpu.memory_space<vmem>>, vector<160000xi32>,
    return
  }
}

</mosaic_0001>

<sc_bundles>
// kernel: kernel.4.cloned.1.call-start
scs
__scs_entry_jumppad:
0x0: {  	(pc) =	sbr.rel $0x88, $3  }
0x1: {  	(tag) =	ssettag $0x0;
	lr =	simm.s32 $0x1  }
0x2: {  	[smem:$0x3F99] =	sst lr;
	_ =	strace $0xD0000000  }
0x3: {  	_ = 	snop  }
0x4: {  	_ = 	snop  }
0x5: {  	_ = 	snop  }
0x6: {  	_ = 	snop  }
0x7: {  	_ = 	snop  }
__scs_overlays_trampoline_lowered:
0x8: {  	[smem:$0x3FA8] =	sst s0  }
0x9: {  	[smem:$0x3FA9] =	sst s1  }
0xa: {  	[smem:$0x3FAA] =	sst s2  }
0xb: {  	[smem:$0x3FAB] =	sst s3  }
0xc: {  	[smem:$0x3FAC] =	sst s4  }
0xd: {  	[smem:$0x3FAD] =	sst s5  }
0xe: {  	[smem:$0x3FAE] =	sst s6  }
0xf: {  	[smem:$0x3FAF] =	sst s7  }
0x10: {  	[smem:$0x3FB0] =	sst s8  }
0x11: {  	[smem:$0x3FB1] =	sst s9;
	s0 =	simm.s32 @!p0 $0x0  }
0x12: {  	s1 =	sld [smem:$0x3F97];
	s0 =	simm.s32 @p0 $0x1  }
0x13: {  	[smem:$0x3FB2] =	sst s0;
	s0 =	simm.s32 @!p1 $0x0  }
0x14: {  	s2 =	sld [smem:$0x3F96];
	s0 =	simm.s32 @p1 $0x1  }
0x15: {  	[smem:$0x3FB3] =	sst s0;
	s0 =	simm.s32 @!p2 $0x0  }
0x16: {  	s3 =	sld [smem:$0x3FDB];
	s0 =	simm.s32 @p2 $0x1  }
0x17: {  	s4 =	simm.s32 $0x1BF5;
	[smem:$0x3FB5] =	sst s0  }
0x18: {  	s0 =	sld [smem:$0x3F98];
	_ =	swait.ge [sflag:s4], $0x0  }
0x19: {  	s7 =	sld [smem:$0x3F99]  }
0x1a: {  	s8 =	sadd.s32 $0xFFFFE003, lr  }
0x1b: {  	s9 =	sadd.s32 $0xFFFFFEF7, lr;
	s5 =	simm.s32 $0xFFFFFFFF;
	p2 =	slt.u32 s8, $0xFFFFF086  }
0x1c: {  	p1 =	slt.u32 s9, $0xF7A;
	s5 =	simm.s32 @!p2 $0x0  }
0x1d: {  	s5 =	simm.s32 @p1 $0x1;
	p0 =	seq.s32 s7, s2  }
0x1e: {  	s7 =	smul.u32 @!p0 $0xF7A, s2;
	p2 =	seq.s32 @!p0 s5, $0x0  }
0x1f: {  	s9 =	smul.u32 $0xF7A, s1;
	s8 =	simm.s32 @!p0 $0x1BF5;
	p2 =	por !p2, p0  }
0x20: {  	[sflag:s8] =	ssyncset.s32 @!p0 $0xFFFFF086;
	s6 =	sadd.s32 @!p0 s3, s7;
	s7 =	simm.s32 @!p0 $0x108  }
0x21: {  	s3 =	sadd.s32 s3, s9;
	s6 =	sadd.s32 @!p0 $0x88, s6;
	s7 =	simm.s32 @p2 $0x1082  }
0x22: {  	[simem:s7], [sflag:s8] =	dma.local @!p0 [hbm:s6], $0xF7A  }
0x23: {  	s9 =	sor.u32 $0xD0000000, s2;
	s6 =	simm.s32 $0x108;
	_ =	swait.ge @!p0 [sflag:s8], $0x0  }
0x24: {  	s3 =	sadd.s32 $0x88, s3;
	s6 =	simm.s32 @!p1 $0x1082;
	[sflag:s4] =	ssyncset.s32 $0xFFFFF086  }
0x25: {  	[simem:s6], [sflag:s4] =	dma.local [hbm:s3], $0xF7A  }
0x26: {  	[smem:$0x3F99] =	sst s1;
	(tag) =	ssettag s2;
	_ =	strace s9  }
0x27: {  	s1 =	sld [smem:$0x3FA9]  }
0x28: {  	s2 =	sld [smem:$0x3FAA]  }
0x29: {  	s4 =	sld [smem:$0x3FAC]  }
0x2a: {  	p0 =	seq.s32 s5, $0x0;
	s5 =	sld [smem:$0x3FAD]  }
0x2b: {  	s6 =	sld [smem:$0x3FAE]  }
0x2c: {  	s7 =	sld [smem:$0x3FAF]  }
0x2d: {  	s3 =	simm.s32 $0x108;
	s8 =	sld [smem:$0x3FB0]  }
0x2e: {  	s3 =	simm.s32 @!p0 $0x1082;
	s9 =	sld [smem:$0x3FB1]  }
0x2f: {  	lr =	sadd.s32 s0, s3;
	s0 =	sld [smem:$0x3FA8]  }
0x30: {  	s3 =	sld [smem:$0x3FAB]  }
0x31: {  	[smem:$0x3FB4] =	sst s10  }
0x32: {  	s10 =	sld [smem:$0x3FB2];
	_ =	sdelay $0x3  }
0x33: {  	p0 =	seq.s32 s10, $0x1;
	s10 =	sld [smem:$0x3FB4];
	_ =	sdelay $0x3  }
0x34: {  	[smem:$0x3FB4] =	sst s10  }
0x35: {  	s10 =	sld [smem:$0x3FB3];
	_ =	sdelay $0x3  }
0x36: {  	p1 =	seq.s32 s10, $0x1;
	s10 =	sld [smem:$0x3FB4];
	_ =	sdelay $0x3  }
0x37: {  	[smem:$0x3FB4] =	sst s10  }
0x38: {  	s10 =	sld [smem:$0x3FB5]  }
0x39: {  	_ = 	snop;
	(pc) =	sbr.ind lr, $3  }
0x3a: {  	_ = 	snop  }
0x3b: {  	_ = 	snop  }
0x3c: {  	p2 =	seq.s32 s10, $0x1;
	s10 =	sld [smem:$0x3FB4]  }
0x3d: {  	_ =	shalt  }
0x3e: {  	_ =	shalt  }
0x3f: {  	_ =	shalt  }
0x40: {  	_ =	shalt  }
0x41: {  	_ =	shalt  }
0x42: {  	_ =	shalt  }
0x43: {  	_ =	shalt  }
0x44: {  	_ =	shalt  }
0x45: {  	_ =	shalt  }
0x46: {  	_ =	shalt  }
0x47: {  	_ =	shalt  }
0x48: {  	_ =	shalt  }
0x49: {  	_ =	shalt  }
0x4a: {  	_ =	shalt  }
0x4b: {  	_ =	shalt  }
0x4c: {  	_ =	shalt  }
0x4d: {  	_ =	shalt  }
0x4e: {  	_ =	shalt  }
0x4f: {  	_ =	shalt  }
0x50: {  	_ =	shalt  }
0x51: {  	_ =	shalt  }
0x52: {  	_ =	shalt  }
0x53: {  	_ =	shalt  }
0x54: {  	_ =	shalt  }
0x55: {  	_ =	shalt  }
0x56: {  	_ =	shalt  }
0x57: {  	_ =	shalt  }
0x58: {  	_ =	shalt  }
0x59: {  	_ =	shalt  }
0x5a: {  	_ =	shalt  }
0x5b: {  	_ =	shalt  }
0x5c: {  	_ =	shalt  }
0x5d: {  	_ =	shalt  }
0x5e: {  	_ =	shalt  }
0x5f: {  	_ =	shalt  }
0x60: {  	_ =	shalt  }
0x61: {  	_ =	shalt  }
0x62: {  	_ =	shalt  }
0x63: {  	_ =	shalt  }
0x64: {  	_ =	shalt  }
0x65: {  	_ =	shalt  }
0x66: {  	_ =	shalt  }
0x67: {  	_ =	shalt  }
0x68: {  	_ =	shalt  }
0x69: {  	_ =	shalt  }
0x6a: {  	_ =	shalt  }
0x6b: {  	_ =	shalt  }
0x6c: {  	_ =	shalt  }
0x6d: {  	_ =	shalt  }
0x6e: {  	_ =	shalt  }
0x6f: {  	_ =	shalt  }
0x70: {  	_ =	shalt  }
0x71: {  	_ =	shalt  }
0x72: {  	_ =	shalt  }
0x73: {  	_ =	shalt  }
0x74: {  	_ =	shalt  }
0x75: {  	_ =	shalt  }
0x76: {  	_ =	shalt  }
0x77: {  	_ =	shalt  }
0x78: {  	_ =	shalt  }
0x79: {  	_ =	shalt  }
0x7a: {  	_ =	shalt  }
0x7b: {  	_ =	shalt  }
0x7c: {  	_ =	shalt  }
0x7d: {  	_ =	shalt  }
0x7e: {  	_ =	shalt  }
0x7f: {  	_ =	shalt  }
0x80: {  	_ =	shalt  }
0x81: {  	_ =	shalt  }
0x82: {  	_ =	shalt  }
0x83: {  	_ =	shalt  }
0x84: {  	_ =	shalt  }
0x85: {  	_ =	shalt  }
0x86: {  	_ =	shalt  }
0x87: {  	_ =	shalt  }
.Lfunc_end0:
.L_simem_size_0:
called_computation_lowered:
.L_overlay_start_0:
0x88: {  	s0 =	sld [smem:$0x3FD9]  }
0x89: {  	s1 =	sld [smem:$0x3FFE];
	_ =	sdelay $0x3  }
0x8a: {  	s0 =	sadd.s32 s1, s0  }
0x8b: {  	[smem:$0x3FC0] =	sst s0  }
0x8c: {  	_ = 	snop  }
0x8d: {  	s0 =	sld [smem:$0x3FC7]  }
0x8e: {  	s16 =	sld [smem:$0x3FD0];
	(tm) =	ssettm $0x1  }
0x8f: {  	s2 =	sld [smem:$0x3FFB];
	_ =	sdelay $0x3  }
0x90: {  	_ =	strace s2  }
0x91: {  	s2 =	sld [smem:$0x3FFC];
	_ =	sdelay $0x3  }
0x92: {  	_ =	strace s2  }
0x93: {  	s2 =	sld [smem:$0x3FFD];
	_ =	sdelay $0x3  }
0x94: {  	_ =	strace s2  }
0x95: {  	_ =	strace $0x8FFFFFFF  }
0x96: {  	s17 =	sld [smem:$0x3FDB];
	_ =	sdelay $0x1  }
0x97: {  	s3 =	simm.s32 $_scs_section_size  }
0x98: {  	s4 =	simm.s32 $_size__tile_overlayer_lowered;
	s5 =	simm.s32 $_tile_overlayer_lowered  }
0x99: {  	s20 =	simm.s32 $0x1BFF;
	s19 =	sshll.u32 s5, $0x1;
	s2 =	sadd.s32 s3, s17  }
0x9a: {  	s6 =	simm.s32 $0x0;
	s18 =	sshll.u32 s4, $0x1;
	s4 =	sadd.s32 s19, s2  }
0x9b: {  	[timem:s6], [sflag:s20] =	dma.local [hbm:s4], s18  }
0x9c: {  	_ =	swait.ge [sflag:s20], s18  }
0x9d: {  	s3 =	ssub.s32 $0x0, s18;
	[sflag:s20] =	ssyncset.done $0x0  }
0x9e: {  	[sflag:s20] =	ssyncadd.s32 s3;
	_ =	sdelay $0x1  }
0x9f: {  	s21 =	simm.s32 $0x1B8B  }
0xa0: {  	_ =	swait.ge [sflag:s21], $0x1  }
0xa1: {  	[sflag:s21] =	ssyncset.done $0x0  }
0xa2: {  	s23 =	simm.s32 $0x1B8E;
	s22 =	sld [smem:$0x3FFE];
	[sflag:s21] =	ssyncadd.s32 $0xFFFFFFFF  }
0xa3: {  	s24 =	simm.s32 $execute0_lowered;
	[smem:$0x3FD2] =	sst s23  }
0xa4: {  	s4 =	sshll.u32 s24, $0x1;
	_ =	strace $0x80000046;
	[dreg:$0x1] =	wrdreg $0xFFFFFFFF  }
0xa5: {  	s25 =	simm.s32 $_size_execute0_lowered;
	s2 =	sadd.s32 s2, s4;
	[dreg:$0x0] =	wrdreg $0x0  }
0xa6: {  	s4 =	sshll.u32 s25, $0x1;
	[dreg:$0x2] =	wrdreg s2  }
0xa7: {  	[dreg:$0x3] =	wrdreg s4  }
0xa8: {  	[dreg:$0x4] =	wrdreg $0xC0  }
0xa9: {  	_ =	task [dreg:s6], $0x5FFFF  }
0xaa: {  	[dreg:$0x1] =	wrdreg $0xFFFFFFFF  }
0xab: {  	[dreg:$0x0] =	wrdreg $0x60  }
0xac: {  	[dreg:$0x2] =	wrdreg s22  }
0xad: {  	[dreg:$0x3] =	wrdreg s0  }
0xae: {  	[dreg:$0x4] =	wrdreg s16  }
0xaf: {  	[dreg:$0x5] =	wrdreg $0x115000  }
0xb0: {  	[dreg:$0x6] =	wrdreg $0x9  }
0xb1: {  	_ =	task.clear_ibuf [dreg:s6], $0x7FFFF;
	_ =	strace $0x90000046  }
0xb2: {  	s26 =	simm.s32 $0x9;
	_ =	strace $0x80000048  }
0xb3: {  	_ =	swait.ge [sflag:s26], $0x1  }
0xb4: {  	[sflag:s26] =	ssyncadd.s32 $0xFFFFFFFF  }
0xb5: {  	_ =	strace $0x90000048  }
0xb6: {  	_ =	sfence  }
0xb7: {  	s28 =	sld [smem:$0x0];
	_ =	sdelay $0x1  }
0xb8: {  	s29 =	srdreg.scid  }
0xb9: {  	s30 =	sshll.u32 s29, $0xD;
	s31 =	sshrl.u32 s29, $0x2  }
0xba: {  	s1 =	sand.u32 $0x1, s29;
	s2 =	sand.u32 $0x4000, s30;
	s0 =	sadd.s32 s31, s28  }
0xbb: {  	s1 =	sor.u32 s2, s1;
	s0 =	sshll.u32 s0, $0x11  }
0xbc: {  	s0 =	sor.u32 s0, s1  }
0xbd: {  	s0 =	sadd.s32 $0x8F2B, s0  }
0xbe: {  	[sflag:s0] =	ssyncadd.remote.s32 $0x1  }
0xbf: {  	_ =	sfence.sel $0xFFFF  }
0xc0: {  	[dreg:$0x0] =	wrdreg $0xFFFFFFFF;
	(pc) =	sbr.abs _section_cstart, $3  }
0xc1: {  	[dreg:$0x1] =	wrdreg $0xFFFFFFFF  }
0xc2: {  	_ =	task.clear_ibuf [dreg:s6], $0x2FFFF;
	_ =	strace $0x9FFFFFFF  }
0xc3: {  	(tm) =	ssettm $0x7FFFFFFF  }
tec
execute0_lowered:
.L_overlay_start_1:
0x0: {  	(tag) =	ssettag $0x1  }
0x1: {  	s6 =	rddreg [dreg:$0x0];
	s0 =	stileid.u32  }
0x2: {  	s5 =	rddreg [dreg:$0x1];
	s3 =	smul.u32 $0x2710, s0  }
0x3: {  	s2 =	rddreg [dreg:$0x2]  }
0x4: {  	s4 =	rddreg [dreg:$0x3];
	s7 =	simm.s32 $0x0;
	s3 =	sshrl.u32 s3, $0x3  }
0x5: {  	[smem:$0x7FF] =	sst s7;
	s8 =	sadd.s32 s3, s6  }
0x6: {  	s1 =	rddreg [dreg:$0x4];
	_ =	strace $0x80000047;
	s9 =	sadd.s32 $0x1400, s8  }
0x7: {  	[tilespmem:s7], [sflag:$0x1] =	stream.linear.gather [hbm4b:s9+s7], $0x2710, $0x38;
	[tilespmem:$0x11780] =	vst v63  }
0x8: {  	s17 =	simm.s32 $0x4F00;
	s5 =	sadd.s32 s5, s3  }
0x9: {  	[tilespmem:s17], [sflag:$0x1] =	stream.linear.gather [hbm4b:s5+s7], $0x2710, $0x38;
	[tilespmem:$0x11780] =	vst v63  }
0xa: {  	s18 =	sadd.s32 $0xB600, s6;
	s5 =	simm.s32 $0x7680  }
0xb: {  	[tilespmem:s5], [sflag:$0x1] =	stream.linear.gather [hbm4b:s18+s7], $0x4E80, $0x38;
	[tilespmem:$0x11780] =	vst v63  }
0xc: {  	s19 =	sadd.s32 $0xB400, s6;
	s6 =	simm.s32 $0xC500  }
0xd: {  	[tilespmem:s6], [sflag:$0x1] =	stream.linear.gather [hbm4b:s19+s7], $0x80, $0x38;
	[tilespmem:$0x11780] =	vst v63  }
0xe: {  	s10 =	simm.s32 $0x2780;
	s20 =	sadd.s32 $0x6400, s8  }
0xf: {  	[tilespmem:s10], [sflag:$0x1] =	stream.linear.gather [hbm4b:s20+s7], $0xA00, $0x38;
	[tilespmem:$0x11780] =	vst v63  }
0x10: {  	s22 =	simm.s32 $0x3180;
	s21 =	sadd.s32 $0x6540, s8  }
0x11: {  	[tilespmem:s22], [sflag:$0x1] =	stream.linear.gather [hbm4b:s21+s7], $0xA00, $0x38;
	[tilespmem:$0x11780] =	vst v63  }
0x12: {  	s24 =	simm.s32 $0x3B80;
	s23 =	sadd.s32 $0x6680, s8  }
0x13: {  	[tilespmem:s24], [sflag:$0x1] =	stream.linear.gather [hbm4b:s23+s7], $0xA00, $0x38;
	[tilespmem:$0x11780] =	vst v63  }
0x14: {  	s25 =	simm.s32 $0x4580;
	s8 =	sadd.s32 $0x67C0, s8  }
0x15: {  	v0 =	vimm.f32 $0.0e+00;
	[tilespmem:s25], [sflag:$0x1] =	stream.linear.gather [hbm4b:s8+s7], $0x910, $0x38;
	[tilespmem:$0x11780] =	vst v63  }
0x16: {  	[tilespmem:$0xC580] =	vst v0  }
0x17: {  	[tilespmem:$0xC590] =	vst v0  }
0x18: {  	[tilespmem:$0xC5A0] =	vst v0  }
0x19: {  	[tilespmem:$0xC5B0] =	vst v0  }
0x1a: {  	[tilespmem:$0xC5C0] =	vst v0  }
0x1b: {  	[tilespmem:$0xC5D0] =	vst v0  }
0x1c: {  	[tilespmem:$0xC5E0] =	vst v0  }
0x1d: {  	[tilespmem:$0xC5F0] =	vst v0  }
0x1e: {  	[tilespmem:$0xC600] =	vst v0  }
0x1f: {  	[tilespmem:$0xC610] =	vst v0  }
0x20: {  	[tilespmem:$0xC620] =	vst v0  }
0x21: {  	[tilespmem:$0xC630] =	vst v0  }
0x22: {  	[tilespmem:$0xC640] =	vst v0  }
0x23: {  	[tilespmem:$0xC650] =	vst v0  }
0x24: {  	[tilespmem:$0xC660] =	vst v0  }
0x25: {  	[tilespmem:$0xC670] =	vst v0  }
0x26: {  	[tilespmem:$0xC680] =	vst v0  }
0x27: {  	[tilespmem:$0xC690] =	vst v0  }
0x28: {  	[tilespmem:$0xC6A0] =	vst v0  }
0x29: {  	[tilespmem:$0xC6B0] =	vst v0  }
0x2a: {  	[tilespmem:$0xC6C0] =	vst v0  }
0x2b: {  	[tilespmem:$0xC6D0] =	vst v0  }
0x2c: {  	[tilespmem:$0xC6E0] =	vst v0  }
0x2d: {  	[tilespmem:$0xC6F0] =	vst v0  }
0x2e: {  	[tilespmem:$0xC700] =	vst v0  }
0x2f: {  	[tilespmem:$0xC710] =	vst v0  }
0x30: {  	[tilespmem:$0xC720] =	vst v0  }
0x31: {  	[tilespmem:$0xC730] =	vst v0  }
0x32: {  	[tilespmem:$0xC740] =	vst v0  }
0x33: {  	[tilespmem:$0xC750] =	vst v0  }
0x34: {  	[tilespmem:$0xC760] =	vst v0  }
0x35: {  	[tilespmem:$0xC770] =	vst v0  }
0x36: {  	[tilespmem:$0xC780] =	vst v0  }
0x37: {  	[tilespmem:$0xC790] =	vst v0  }
0x38: {  	[tilespmem:$0xC7A0] =	vst v0  }
0x39: {  	[tilespmem:$0xC7B0] =	vst v0  }
0x3a: {  	s26 =	smul.u32 $0xA00, s0;
	[tilespmem:$0xC7C0] =	vst v0  }
0x3b: {  	[tilespmem:$0xC7D0] =	vst v0  }
0x3c: {  	s7 =	sshrl.u32 s26, $0x2;
	[tilespmem:$0xC7E0] =	vst v0  }
0x3d: {  	s28 =	simm.s32 $0xC580;
	s29 =	simm.s32 $0x3;
	s7 =	sadd.s32 s7, s4;
	[tilespmem:$0xC7F0] =	vst v0  }
0x3e: {  	[spmem:s7] =	stream.linear.scatter [tilespmem:s28], [sflag:$0x3], $0x280, $0x38;
	[tilespmem:$0x11780] =	vst v63  }
0x3f: {  	_ =	swait.ge [sflag:s29], $0x280  }
0x40: {  	[sflag:s29] =	ssyncset.done $0x0  }
0x41: {  	s30 =	simm.s32 $0x1;
	[sflag:s29] =	ssyncadd.s32 $0xFFFFFD80  }
0x42: {  	_ =	swait.ge [sflag:s30], $0x2710  }
0x43: {  	[sflag:s30] =	ssyncset.done $0x0  }
0x44: {  	[sflag:s30] =	ssyncadd.s32 $0xFFFFD8F0  }
0x45: {  	_ =	swait.ge [sflag:s30], $0x2710  }
0x46: {  	[sflag:s30] =	ssyncset.done $0x0  }
0x47: {  	[sflag:s30] =	ssyncadd.s32 $0xFFFFD8F0  }
0x48: {  	_ =	swait.ge [sflag:s30], $0x4E80  }
0x49: {  	[sflag:s30] =	ssyncset.done $0x0  }
0x4a: {  	[sflag:s30] =	ssyncadd.s32 $0xFFFFB180  }
0x4b: {  	_ =	swait.ge [sflag:s30], $0x80  }
0x4c: {  	[sflag:s30] =	ssyncset.done $0x0  }
0x4d: {  	[sflag:s30] =	ssyncadd.s32 $0xFFFFFF80  }
0x4e: {  	_ =	swait.ge [sflag:s30], $0xA00  }
0x4f: {  	[sflag:s30] =	ssyncset.done $0x0  }
0x50: {  	[sflag:s30] =	ssyncadd.s32 $0xFFFFF600  }
0x51: {  	_ =	swait.ge [sflag:s30], $0xA00  }
0x52: {  	[sflag:s30] =	ssyncset.done $0x0  }
0x53: {  	[sflag:s30] =	ssyncadd.s32 $0xFFFFF600  }
0x54: {  	_ =	swait.ge [sflag:s30], $0xA00  }
0x55: {  	[sflag:s30] =	ssyncset.done $0x0  }
0x56: {  	[sflag:s30] =	ssyncadd.s32 $0xFFFFF600  }
0x57: {  	_ =	swait.ge [sflag:s30], $0x910  }
0x58: {  	[sflag:s30] =	ssyncset.done $0x0  }
0x59: {  	[sflag:s30] =	ssyncadd.s32 $0xFFFFF6F0  }
0x5a: {  	[bflag:$0x0] =	sbarrier.arrive $0xFFFF  }
0x5b: {  	s31 =	simm.s32 $0x40;
	v0 =	vld [tilespmem:$0xC510]  }
0x5c: {  	s7 =	simm.s32 $0x27C0;
	v1 =	vld [tilespmem:s31+$0x30]  }
0x5d: {  	v2 =	vld [tilespmem:s7+$0x30]  }
0x5e: {  	v3 =	vld [tilespmem:s31+$0xFFFFFFC0]  }
0x5f: {  	s8 =	simm.s32 $0x4F40;
	v4 =	vld [tilespmem:s31+$0xFFFFFFD0]  }
0x60: {  	v5 =	vld [tilespmem:s8+$0x30]  }
0x61: {  	v6 =	vld [tilespmem:s31+$0xFFFFFFE0]  }
0x62: {  	v7 =	vld [tilespmem:s31+$0xFFFFFFF0]  }
0x63: {  	v8 =	vld [tilespmem:s31+$0x0]  }
0x64: {  	v9 =	vld [tilespmem:s31+$0x10]  }
0x65: {  	v10 =	vld [tilespmem:s31+$0x20]  }
0x66: {  	v11 =	vld [tilespmem:s7+$0xFFFFFFD0]  }
0x67: {  	v12 =	vld [tilespmem:s7+$0xFFFFFFE0]  }
0x68: {  	v13 =	vld [tilespmem:s7+$0xFFFFFFF0]  }
0x69: {  	v14 =	vld [tilespmem:s7+$0x0]  }
0x6a: {  	v15 =	vld [tilespmem:s7+$0x10]  }
0x6b: {  	v16 =	vld [tilespmem:s7+$0x20]  }
0x6c: {  	v17 =	vld [tilespmem:s7+$0xFFFFFFC0];
	v1 =	vadd.s32 $0x2710, v1  }
0x6d: {  	v18 =	vld [tilespmem:s8+$0xFFFFFFC0]  }
0x6e: {  	v19 =	vld [tilespmem:s8+$0xFFFFFFD0]  }
0x6f: {  	v20 =	vld [tilespmem:s8+$0xFFFFFFE0]  }
0x70: {  	v2 =	vld.idx.msk [tilespmem:v2+s5+$0x0], $0xffff  }
0x71: {  	v1 =	vld.idx.msk [tilespmem:v1+s5+$0x0], $0xffff  }
0x72: {  	v21 =	vld [tilespmem:s8+$0xFFFFFFF0]  }
0x73: {  	v5 =	vld.idx.msk [tilespmem:v5+s6+$0x0], $0xffff  }
0x74: {  	v22 =	vld [tilespmem:s8+$0x0]  }
0x75: {  	v23 =	vld [tilespmem:s8+$0x10];
	v6 =	vadd.s32 $0x2710, v6  }
0x76: {  	v24 =	vld [tilespmem:s8+$0x20];
	v1 =	vadd.f32 v1, v2  }
0x77: {  	v3 =	vadd.s32 $0x2710, v3;
	v14 =	vld.idx.msk [tilespmem:v14+s5+$0x0], $0xffff  }
0x78: {  	v4 =	vadd.s32 $0x2710, v4;
	v15 =	vld.idx.msk [tilespmem:v15+s5+$0x0], $0xffff;
	v1 =	vadd.f32 v5, v1  }
0x79: {  	v7 =	vadd.s32 $0x2710, v7;
	v16 =	vld.idx.msk [tilespmem:v16+s5+$0x0], $0xffff  }
0x7a: {  	v8 =	vadd.s32 $0x2710, v8;
	v5 =	vld.idx.msk [tilespmem:v6+s5+$0x0], $0xffff;
	v6 =	vmul.f32 $2.000000030e-01, v1  }
0x7b: {  	v62 =	vld.idx.msk [tilespmem:v18+s6+$0x0], $0xffff;
	vm0 =	vge.f32 v1, $0.0e+00  }
0x7c: {  	v3 =	vld.idx.msk [tilespmem:v3+s5+$0x0], $0xffff;
	v2 =	vadd.s32 $0x2710, v9;
	v1 =	vsel vm0, v1, v6  }
0x7d: {  	v4 =	vld.idx.msk [tilespmem:v4+s5+$0x0], $0xffff;
	v9 =	vadd.s32 $0x2710, v10;
	v1 =	vsub.f32 v1, v0  }
0x7e: {  	v7 =	vld.idx.msk [tilespmem:v7+s5+$0x0], $0xffff  }
0x7f: {  	v25 =	vld.idx.msk [tilespmem:v8+s5+$0x0], $0xffff;
	v1 =	vmul.f32 $1.442695020e+00, v1  }
0x80: {  	v8 =	vld.idx.msk [tilespmem:v17+s5+$0x0], $0xffff  }
0x81: {  	v2 =	vld.idx.msk [tilespmem:v2+s5+$0x0], $0xffff;
	(erf) = vpow2.f32 v1  }
0x82: {  	v6 =	vld.idx.msk [tilespmem:v9+s5+$0x0], $0xffff  }
0x83: {  	v9 =	vld.idx.msk [tilespmem:v11+s5+$0x0], $0xffff  }
0x84: {  	v11 =	vld.idx.msk [tilespmem:v12+s5+$0x0], $0xffff  }
0x85: {  	v1 =	vld.idx.msk [tilespmem:v13+s5+$0x0], $0xffff  }
0x86: {  	v10 =	vld.idx.msk [tilespmem:v20+s6+$0x0], $0xffff  }
0x87: {  	v12 =	vld.idx.msk [tilespmem:v19+s6+$0x0], $0xffff  }
0x88: {  	v63 =	vadd.f32 v3, v8;
	v13 =	vadd.f32 v4, v9;
	v9 =	vld.idx.msk [tilespmem:v21+s6+$0x0], $0xffff  }
0x89: {  	v3 =	vadd.f32 v2, v15;
	v11 =	vadd.f32 v5, v11;
	v5 =	vld.idx.msk [tilespmem:v22+s6+$0x0], $0xffff  }
0x8a: {  	s9 =	simm.s32 $0xC5C0;
	v4 =	vld.idx.msk [tilespmem:v23+s6+$0x0], $0xffff;
	v2 =	vadd.f32 v6, v16;
	v8 =	vadd.f32 v7, v1;
	v1 =	vpop (erf)  }
0x8b: {  	s11 =	simm.s32 $0xC0;
	s10 =	simm.s32 $0x0;
	v6 =	vld.idx.msk [tilespmem:v24+s6+$0x0], $0xffff;
	v7 =	vadd.f32 v25, v14;
	[tilespmem:s9+$0x30] =	vst v1;
	v1 =	vadd.f32 v62, v63  }
.LBB2_1:
0x8c: {  	v14 =	vld [tilespmem:s11+$0x30];
	s10 =	sadd.s32 $0x80, s10;
	v12 =	vadd.f32 v12, v13;
	s7 =	sadd.s32 $0x80, s7  }
0x8d: {  	v10 =	vadd.f32 v10, v11;
	v13 =	vld [tilespmem:s7+$0x30];
	p0 =	slt.u32 s10, $0x980;
	vm0 =	vge.f32 v1, $0.0e+00;
	v15 =	vmul.f32 $2.000000030e-01, v1  }
0x8e: {  	v8 =	vadd.f32 v9, v8;
	v11 =	vld [tilespmem:s11+$0xFFFFFFC0];
	vm1 =	vge.f32 v12, $0.0e+00;
	v16 =	vmul.f32 $2.000000030e-01, v12  }
0x8f: {  	s8 =	sadd.s32 $0x80, s8;
	vm2 =	vge.f32 v10, $0.0e+00;
	v17 =	vmul.f32 $2.000000030e-01, v10;
	v5 =	vadd.f32 v5, v7;
	v9 =	vld [tilespmem:s11+$0xFFFFFFD0]  }
0x90: {  	vm3 =	vge.f32 v8, $0.0e+00;
	v18 =	vmul.f32 $2.000000030e-01, v8;
	v3 =	vadd.f32 v4, v3;
	v7 =	vld [tilespmem:s8+$0x30]  }
0x91: {  	v19 =	vmul.f32 $2.000000030e-01, v5;
	v2 =	vadd.f32 v6, v2;
	v4 =	vld [tilespmem:s11+$0xFFFFFFE0];
	v14 =	vadd.s32 $0x2710, v14  }
0x92: {  	vm4 =	vge.f32 v5, $0.0e+00;
	vm5 =	vge.f32 v3, $0.0e+00;
	v20 =	vmul.f32 $2.000000030e-01, v3;
	v6 =	vld [tilespmem:s11+$0xFFFFFFF0]  }
0x93: {  	vm6 =	vge.f32 v2, $0.0e+00;
	v22 =	vmul.f32 $2.000000030e-01, v2;
	v11 =	vadd.s32 $0x2710, v11;
	v21 =	vld [tilespmem:s11+$0x0]  }
0x94: {  	v1 =	vsel vm0, v1, v15;
	v12 =	vsel vm1, v12, v16;
	v9 =	vadd.s32 $0x2710, v9;
	v23 =	vld [tilespmem:s11+$0x10]  }
0x95: {  	v10 =	vsel vm2, v10, v17;
	v8 =	vsel vm3, v8, v18;
	v5 =	vsel vm4, v5, v19;
	v13 =	vld.idx.msk [tilespmem:v13+s5+$0x0], $0xffff  }
0x96: {  	v3 =	vsel vm5, v3, v20;
	v2 =	vsel vm6, v2, v22;
	v4 =	vadd.s32 $0x2710, v4;
	v14 =	vld.idx.msk [tilespmem:v14+s5+$0x0], $0xffff  }
0x97: {  	v1 =	vsub.f32 v1, v0;
	v12 =	vsub.f32 v12, v0;
	v6 =	vadd.s32 $0x2710, v6;
	v15 =	vld [tilespmem:s11+$0x20]  }
0x98: {  	v10 =	vsub.f32 v10, v0;
	v8 =	vsub.f32 v8, v0;
	v16 =	vadd.s32 $0x2710, v21;
	v7 =	vld.idx.msk [tilespmem:v7+s6+$0x0], $0xffff  }
0x99: {  	v5 =	vsub.f32 v5, v0;
	v3 =	vsub.f32 v3, v0;
	v17 =	vld [tilespmem:s7+$0xFFFFFFD0];
	v18 =	vadd.s32 $0x2710, v23  }
0x9a: {  	v1 =	vmul.f32 $1.442695020e+00, v1;
	v12 =	vmul.f32 $1.442695020e+00, v12;
	v2 =	vsub.f32 v2, v0;
	v19 =	vld [tilespmem:s7+$0xFFFFFFE0]  }
0x9b: {  	v10 =	vmul.f32 $1.442695020e+00, v10;
	v8 =	vmul.f32 $1.442695020e+00, v8;
	v20 =	vld [tilespmem:s7+$0xFFFFFFF0]  }
0x9c: {  	v5 =	vmul.f32 $1.442695020e+00, v5;
	v13 =	vadd.f32 v14, v13;
	v21 =	vld [tilespmem:s7+$0x0];
	v15 =	vadd.s32 $0x2710, v15  }
0x9d: {  	v3 =	vmul.f32 $1.442695020e+00, v3;
	v2 =	vmul.f32 $1.442695020e+00, v2;
	v14 =	vld [tilespmem:s7+$0x10]  }
0x9e: {  	v7 =	vadd.f32 v7, v13;
	v22 =	vld [tilespmem:s7+$0x20];
	(erf) = vpow2.f32 v1  }
0x9f: {  	v1 =	vld [tilespmem:s7+$0xFFFFFFC0];
	(erf) = vpow2.f32 v12  }
0xa0: {  	v13 =	vmul.f32 $2.000000030e-01, v7;
	v12 =	vld [tilespmem:s8+$0xFFFFFFC0];
	(erf) = vpow2.f32 v10  }
0xa1: {  	vm0 =	vge.f32 v7, $0.0e+00;
	v10 =	vld [tilespmem:s8+$0xFFFFFFD0];
	(erf) = vpow2.f32 v8  }
0xa2: {  	v7 =	vsel vm0, v7, v13;
	v8 =	vld [tilespmem:s8+$0xFFFFFFE0];
	(erf) = vpow2.f32 v5  }
0xa3: {  	v7 =	vsub.f32 v7, v0;
	v5 =	vld [tilespmem:s8+$0xFFFFFFF0];
	(erf) = vpow2.f32 v3  }
0xa4: {  	v3 =	vld [tilespmem:s8+$0x0];
	(erf) = vpow2.f32 v2  }
0xa5: {  	v13 =	vmul.f32 $1.442695020e+00, v7;
	v2 =	vld [tilespmem:s8+$0x10]  }
0xa6: {  	v23 =	vld [tilespmem:s8+$0x20]  }
0xa7: {  	v11 =	vld.idx.msk [tilespmem:v11+s5+$0x0], $0xffff;
	(erf) = vpow2.f32 v13;
	v7 =	vpop (erf)  }
0xa8: {  	v9 =	vld.idx.msk [tilespmem:v9+s5+$0x0], $0xffff;
	[tilespmem:s9+$0xFFFFFFC0] =	vst v7;
	v7 =	vpop (erf)  }
0xa9: {  	v4 =	vld.idx.msk [tilespmem:v4+s5+$0x0], $0xffff;
	[tilespmem:s9+$0xFFFFFFD0] =	vst v7;
	v7 =	vpop (erf)  }
0xaa: {  	v6 =	vld.idx.msk [tilespmem:v6+s5+$0x0], $0xffff;
	[tilespmem:s9+$0xFFFFFFE0] =	vst v7;
	v7 =	vpop (erf)  }
0xab: {  	v16 =	vld.idx.msk [tilespmem:v16+s5+$0x0], $0xffff;
	[tilespmem:s9+$0xFFFFFFF0] =	vst v7;
	v7 =	vpop (erf)  }
0xac: {  	v18 =	vld.idx.msk [tilespmem:v18+s5+$0x0], $0xffff;
	[tilespmem:s9+$0x0] =	vst v7;
	v7 =	vpop (erf)  }
0xad: {  	v15 =	vld.idx.msk [tilespmem:v15+s5+$0x0], $0xffff;
	[tilespmem:s9+$0x10] =	vst v7;
	v7 =	vpop (erf)  }
0xae: {  	v1 =	vld.idx.msk [tilespmem:v1+s5+$0x0], $0xffff;
	[tilespmem:s9+$0x20] =	vst v7  }
0xaf: {  	v7 =	vld.idx.msk [tilespmem:v17+s5+$0x0], $0xffff  }
0xb0: {  	s9 =	sadd.s32 $0x80, s9;
	v17 =	vld.idx.msk [tilespmem:v19+s5+$0x0], $0xffff;
	v13 =	vpop (erf)  }
0xb1: {  	v19 =	vld.idx.msk [tilespmem:v20+s5+$0x0], $0xffff;
	[tilespmem:s9+$0x30] =	vst v13  }
0xb2: {  	v20 =	vld.idx.msk [tilespmem:v21+s5+$0x0], $0xffff  }
0xb3: {  	v14 =	vld.idx.msk [tilespmem:v14+s5+$0x0], $0xffff  }
0xb4: {  	v1 =	vadd.f32 v11, v1;
	v21 =	vld.idx.msk [tilespmem:v22+s5+$0x0], $0xffff  }
0xb5: {  	v13 =	vadd.f32 v9, v7;
	v22 =	vld.idx.msk [tilespmem:v12+s6+$0x0], $0xffff  }
0xb6: {  	v11 =	vadd.f32 v4, v17;
	v12 =	vld.idx.msk [tilespmem:v10+s6+$0x0], $0xffff  }
.Ltmp0:
0xb7: {  	v10 =	vld.idx.msk [tilespmem:v8+s6+$0x0], $0xffff;
	v8 =	vadd.f32 v6, v19;
	(pc) =	sbr.rel @p0 .LBB2_1-.Ltmp0, $4  }
0xb8: {  	v7 =	vadd.f32 v16, v20;
	v9 =	vld.idx.msk [tilespmem:v5+s6+$0x0], $0xffff  }
0xb9: {  	v5 =	vld.idx.msk [tilespmem:v3+s6+$0x0], $0xffff;
	v3 =	vadd.f32 v18, v14  }
0xba: {  	v4 =	vld.idx.msk [tilespmem:v2+s6+$0x0], $0xffff;
	v2 =	vadd.f32 v15, v21  }
0xbb: {  	s11 =	sadd.s32 $0x80, s11;
	v1 =	vadd.f32 v22, v1;
	v6 =	vld.idx.msk [tilespmem:v23+s6+$0x0], $0xffff  }
0xbc: {  	v12 =	vadd.f32 v12, v13  }
0xbd: {  	v10 =	vadd.f32 v10, v11;
	vm0 =	vge.f32 v1, $0.0e+00  }
0xbe: {  	v11 =	vmul.f32 $2.000000030e-01, v1;
	v8 =	vadd.f32 v9, v8;
	vm1 =	vge.f32 v12, $0.0e+00  }
0xbf: {  	v9 =	vmul.f32 $2.000000030e-01, v12;
	vm2 =	vge.f32 v10, $0.0e+00;
	v5 =	vadd.f32 v5, v7  }
0xc0: {  	v7 =	vmul.f32 $2.000000030e-01, v10;
	vm3 =	vge.f32 v8, $0.0e+00;
	v3 =	vadd.f32 v4, v3  }
0xc1: {  	v4 =	vmul.f32 $2.000000030e-01, v8;
	v1 =	vsel vm0, v1, v11;
	v13 =	vmul.f32 $2.000000030e-01, v5  }
0xc2: {  	v2 =	vadd.f32 v6, v2;
	vm4 =	vge.f32 v5, $0.0e+00;
	v9 =	vsel vm1, v12, v9  }
0xc3: {  	v7 =	vsel vm2, v10, v7;
	v1 =	vsub.f32 v1, v0;
	vm5 =	vge.f32 v3, $0.0e+00  }
0xc4: {  	v6 =	vmul.f32 $2.000000030e-01, v3;
	v4 =	vsel vm3, v8, v4;
	v8 =	vsub.f32 v9, v0  }
0xc5: {  	vm6 =	vge.f32 v2, $0.0e+00;
	v14 =	vmul.f32 $2.000000030e-01, v2;
	v5 =	vsel vm4, v5, v13  }
0xc6: {  	v1 =	vmul.f32 $1.442695020e+00, v1;
	v3 =	vsel vm5, v3, v6;
	v6 =	vsub.f32 v7, v0  }
0xc7: {  	v4 =	vsub.f32 v4, v0;
	v7 =	vmul.f32 $1.442695020e+00, v8;
	v5 =	vsub.f32 v5, v0  }
0xc8: {  	v2 =	vsel vm6, v2, v14;
	(erf) = vpow2.f32 v1;
	v6 =	vmul.f32 $1.442695020e+00, v6  }
0xc9: {  	v1 =	vsub.f32 v3, v0;
	v3 =	vmul.f32 $1.442695020e+00, v4;
	(erf) = vpow2.f32 v7  }
0xca: {  	v2 =	vsub.f32 v2, v0;
	v4 =	vmul.f32 $1.442695020e+00, v5;
	(erf) = vpow2.f32 v6  }
0xcb: {  	v1 =	vmul.f32 $1.442695020e+00, v1;
	(erf) = vpow2.f32 v3  }
0xcc: {  	v2 =	vmul.f32 $1.442695020e+00, v2;
	(erf) = vpow2.f32 v4  }
0xcd: {  	(erf) = vpow2.f32 v1  }
0xce: {  	(erf) = vpow2.f32 v2;
	_ =	sdelay $0x2  }
0xcf: {  	v1 =	vpop (erf)  }
0xd0: {  	[tilespmem:s9+$0xFFFFFFC0] =	vst v1;
	v1 =	vpop (erf)  }
0xd1: {  	[tilespmem:s9+$0xFFFFFFD0] =	vst v1;
	v1 =	vpop (erf)  }
0xd2: {  	[tilespmem:s9+$0xFFFFFFE0] =	vst v1;
	v1 =	vpop (erf)  }
0xd3: {  	[tilespmem:s9+$0xFFFFFFF0] =	vst v1;
	v1 =	vpop (erf)  }
0xd4: {  	[tilespmem:s9+$0x0] =	vst v1;
	v1 =	vpop (erf)  }
0xd5: {  	s5 =	simm.s32 $0xA00;
	[tilespmem:s9+$0x10] =	vst v1;
	v1 =	vpop (erf)  }
0xd6: {  	s6 =	simm.s32 $0x2780;
	s7 =	simm.s32 $0xC580;
	s31 =	simm.s32 $0xA70;
	[tilespmem:s9+$0x20] =	vst v1  }
0xd7: {  	[spmem:s4] =	stream.indirect.scatter.add.f32 [tilespmem:s7], [sflag:$0x2], $0x1, s6, s5, $0xb8;
	[tilespmem:$0x11780] =	vst v63  }
0xd8: {  	s5 =	simm.s32 $0x31C0;
	v1 =	vld [tilespmem:s31+$0x0]  }
0xd9: {  	v2 =	vld [tilespmem:s5+$0x30]  }
0xda: {  	v3 =	vld [tilespmem:s31+$0xFFFFFF90]  }
0xdb: {  	s6 =	simm.s32 $0x5970;
	v4 =	vld [tilespmem:s31+$0xFFFFFFA0]  }
0xdc: {  	v5 =	vld [tilespmem:s6+$0x0]  }
0xdd: {  	v6 =	vld [tilespmem:s31+$0xFFFFFFB0]  }
0xde: {  	v7 =	vld [tilespmem:s31+$0xFFFFFFC0]  }
0xdf: {  	v8 =	vld [tilespmem:s31+$0xFFFFFFD0]  }
0xe0: {  	v9 =	vld [tilespmem:s31+$0xFFFFFFE0]  }
0xe1: {  	v10 =	vld [tilespmem:s31+$0xFFFFFFF0]  }
0xe2: {  	v11 =	vld [tilespmem:s5+$0xFFFFFFD0]  }
0xe3: {  	v12 =	vld [tilespmem:s5+$0xFFFFFFE0]  }
0xe4: {  	v13 =	vld [tilespmem:s5+$0xFFFFFFF0]  }
0xe5: {  	v14 =	vld [tilespmem:s5+$0x0]  }
0xe6: {  	v15 =	vld [tilespmem:s5+$0x10]  }
0xe7: {  	v16 =	vld [tilespmem:s5+$0x20]  }
0xe8: {  	v17 =	vld [tilespmem:s5+$0xFFFFFFC0];
	v1 =	vadd.s32 $0x2710, v1  }
0xe9: {  	v18 =	vld [tilespmem:s6+$0xFFFFFF90]  }
0xea: {  	v19 =	vld [tilespmem:s6+$0xFFFFFFA0]  }
0xeb: {  	s8 =	simm.s32 $0x7680;
	v20 =	vld [tilespmem:s6+$0xFFFFFFB0]  }
0xec: {  	v2 =	vld.idx.msk [tilespmem:v2+s8+$0x0], $0xffff  }
0xed: {  	v1 =	vld.idx.msk [tilespmem:v1+s8+$0x0], $0xffff  }
0xee: {  	s9 =	simm.s32 $0xC500;
	v21 =	vld [tilespmem:s6+$0xFFFFFFC0]  }
0xef: {  	v5 =	vld.idx.msk [tilespmem:v5+s9+$0x0], $0xffff  }
0xf0: {  	v22 =	vld [tilespmem:s6+$0xFFFFFFD0]  }
0xf1: {  	v23 =	vld [tilespmem:s6+$0xFFFFFFE0];
	v6 =	vadd.s32 $0x2710, v6  }
0xf2: {  	v24 =	vld [tilespmem:s6+$0xFFFFFFF0];
	v1 =	vadd.f32 v1, v2  }
0xf3: {  	v3 =	vadd.s32 $0x2710, v3;
	v14 =	vld.idx.msk [tilespmem:v14+s8+$0x0], $0xffff  }
0xf4: {  	v4 =	vadd.s32 $0x2710, v4;
	v15 =	vld.idx.msk [tilespmem:v15+s8+$0x0], $0xffff;
	v1 =	vadd.f32 v5, v1  }
0xf5: {  	v7 =	vadd.s32 $0x2710, v7;
	v16 =	vld.idx.msk [tilespmem:v16+s8+$0x0], $0xffff  }
0xf6: {  	v8 =	vadd.s32 $0x2710, v8;
	v5 =	vld.idx.msk [tilespmem:v6+s8+$0x0], $0xffff;
	v6 =	vmul.f32 $2.000000030e-01, v1  }
0xf7: {  	v62 =	vld.idx.msk [tilespmem:v18+s9+$0x0], $0xffff;
	vm15 =	vge.f32 v1, $0.0e+00  }
0xf8: {  	v3 =	vld.idx.msk [tilespmem:v3+s8+$0x0], $0xffff;
	v2 =	vadd.s32 $0x2710, v9;
	v1 =	vsel vm15, v1, v6  }
0xf9: {  	v4 =	vld.idx.msk [tilespmem:v4+s8+$0x0], $0xffff;
	v9 =	vadd.s32 $0x2710, v10;
	v1 =	vsub.f32 v1, v0  }
0xfa: {  	v7 =	vld.idx.msk [tilespmem:v7+s8+$0x0], $0xffff  }
0xfb: {  	v25 =	vld.idx.msk [tilespmem:v8+s8+$0x0], $0xffff;
	v1 =	vmul.f32 $1.442695020e+00, v1  }
0xfc: {  	v8 =	vld.idx.msk [tilespmem:v17+s8+$0x0], $0xffff  }
0xfd: {  	v2 =	vld.idx.msk [tilespmem:v2+s8+$0x0], $0xffff;
	(erf) = vpow2.f32 v1  }
0xfe: {  	v6 =	vld.idx.msk [tilespmem:v9+s8+$0x0], $0xffff  }
0xff: {  	v9 =	vld.idx.msk [tilespmem:v11+s8+$0x0], $0xffff  }
0x100: {  	v11 =	vld.idx.msk [tilespmem:v12+s8+$0x0], $0xffff  }
0x101: {  	v1 =	vld.idx.msk [tilespmem:v13+s8+$0x0], $0xffff  }
0x102: {  	v10 =	vld.idx.msk [tilespmem:v20+s9+$0x0], $0xffff  }
0x103: {  	v12 =	vld.idx.msk [tilespmem:v19+s9+$0x0], $0xffff  }
0x104: {  	v63 =	vadd.f32 v3, v8;
	v13 =	vadd.f32 v4, v9;
	v9 =	vld.idx.msk [tilespmem:v21+s9+$0x0], $0xffff  }
0x105: {  	v3 =	vadd.f32 v2, v15;
	v11 =	vadd.f32 v5, v11;
	v5 =	vld.idx.msk [tilespmem:v22+s9+$0x0], $0xffff  }
0x106: {  	s7 =	simm.s32 $0xCFF0;
	v4 =	vld.idx.msk [tilespmem:v23+s9+$0x0], $0xffff;
	v2 =	vadd.f32 v6, v16;
	v8 =	vadd.f32 v7, v1;
	v1 =	vpop (erf)  }
0x107: {  	s10 =	simm.s32 $0x0;
	s11 =	simm.s32 $0xAF0;
	v6 =	vld.idx.msk [tilespmem:v24+s9+$0x0], $0xffff;
	v7 =	vadd.f32 v25, v14;
	[tilespmem:s7+$0x0] =	vst v1;
	v1 =	vadd.f32 v62, v63  }
.LBB2_3:
0x108: {  	v14 =	vld [tilespmem:s11+$0x0];
	s10 =	sadd.s32 $0x80, s10;
	v12 =	vadd.f32 v12, v13;
	s5 =	sadd.s32 $0x80, s5  }
0x109: {  	v10 =	vadd.f32 v10, v11;
	v13 =	vld [tilespmem:s5+$0x30];
	p0 =	slt.u32 s10, $0x980;
	vm0 =	vge.f32 v1, $0.0e+00;
	v15 =	vmul.f32 $2.000000030e-01, v1  }
0x10a: {  	v8 =	vadd.f32 v9, v8;
	v11 =	vld [tilespmem:s11+$0xFFFFFF90];
	vm1 =	vge.f32 v12, $0.0e+00;
	v16 =	vmul.f32 $2.000000030e-01, v12  }
0x10b: {  	s6 =	sadd.s32 $0x80, s6;
	vm2 =	vge.f32 v10, $0.0e+00;
	v17 =	vmul.f32 $2.000000030e-01, v10;
	v5 =	vadd.f32 v5, v7;
	v9 =	vld [tilespmem:s11+$0xFFFFFFA0]  }
0x10c: {  	vm3 =	vge.f32 v8, $0.0e+00;
	v18 =	vmul.f32 $2.000000030e-01, v8;
	v3 =	vadd.f32 v4, v3;
	v7 =	vld [tilespmem:s6+$0x0]  }
0x10d: {  	v19 =	vmul.f32 $2.000000030e-01, v5;
	v2 =	vadd.f32 v6, v2;
	v4 =	vld [tilespmem:s11+$0xFFFFFFB0];
	v14 =	vadd.s32 $0x2710, v14  }
0x10e: {  	vm4 =	vge.f32 v5, $0.0e+00;
	vm5 =	vge.f32 v3, $0.0e+00;
	v20 =	vmul.f32 $2.000000030e-01, v3;
	v6 =	vld [tilespmem:s11+$0xFFFFFFC0]  }
0x10f: {  	vm6 =	vge.f32 v2, $0.0e+00;
	v22 =	vmul.f32 $2.000000030e-01, v2;
	v11 =	vadd.s32 $0x2710, v11;
	v21 =	vld [tilespmem:s11+$0xFFFFFFD0]  }
0x110: {  	v1 =	vsel vm0, v1, v15;
	v12 =	vsel vm1, v12, v16;
	v9 =	vadd.s32 $0x2710, v9;
	v23 =	vld [tilespmem:s11+$0xFFFFFFE0]  }
0x111: {  	v10 =	vsel vm2, v10, v17;
	v8 =	vsel vm3, v8, v18;
	v5 =	vsel vm4, v5, v19;
	v13 =	vld.idx.msk [tilespmem:v13+s8+$0x0], $0xffff  }
0x112: {  	v3 =	vsel vm5, v3, v20;
	v2 =	vsel vm6, v2, v22;
	v4 =	vadd.s32 $0x2710, v4;
	v14 =	vld.idx.msk [tilespmem:v14+s8+$0x0], $0xffff  }
0x113: {  	v1 =	vsub.f32 v1, v0;
	v12 =	vsub.f32 v12, v0;
	v6 =	vadd.s32 $0x2710, v6;
	v15 =	vld [tilespmem:s11+$0xFFFFFFF0]  }
0x114: {  	v10 =	vsub.f32 v10, v0;
	v8 =	vsub.f32 v8, v0;
	v16 =	vadd.s32 $0x2710, v21;
	v7 =	vld.idx.msk [tilespmem:v7+s9+$0x0], $0xffff  }
0x115: {  	v5 =	vsub.f32 v5, v0;
	v3 =	vsub.f32 v3, v0;
	v17 =	vld [tilespmem:s5+$0xFFFFFFD0];
	v18 =	vadd.s32 $0x2710, v23  }
0x116: {  	v1 =	vmul.f32 $1.442695020e+00, v1;
	v12 =	vmul.f32 $1.442695020e+00, v12;
	v2 =	vsub.f32 v2, v0;
	v19 =	vld [tilespmem:s5+$0xFFFFFFE0]  }
0x117: {  	v10 =	vmul.f32 $1.442695020e+00, v10;
	v8 =	vmul.f32 $1.442695020e+00, v8;
	v20 =	vld [tilespmem:s5+$0xFFFFFFF0]  }
0x118: {  	v5 =	vmul.f32 $1.442695020e+00, v5;
	v13 =	vadd.f32 v14, v13;
	v21 =	vld [tilespmem:s5+$0x0];
	v15 =	vadd.s32 $0x2710, v15  }
0x119: {  	v3 =	vmul.f32 $1.442695020e+00, v3;
	v2 =	vmul.f32 $1.442695020e+00, v2;
	v14 =	vld [tilespmem:s5+$0x10]  }
0x11a: {  	v7 =	vadd.f32 v7, v13;
	v22 =	vld [tilespmem:s5+$0x20];
	(erf) = vpow2.f32 v1  }
0x11b: {  	v1 =	vld [tilespmem:s5+$0xFFFFFFC0];
	(erf) = vpow2.f32 v12  }
0x11c: {  	v13 =	vmul.f32 $2.000000030e-01, v7;
	v12 =	vld [tilespmem:s6+$0xFFFFFF90];
	(erf) = vpow2.f32 v10  }
0x11d: {  	vm0 =	vge.f32 v7, $0.0e+00;
	v10 =	vld [tilespmem:s6+$0xFFFFFFA0];
	(erf) = vpow2.f32 v8  }
0x11e: {  	v7 =	vsel vm0, v7, v13;
	v8 =	vld [tilespmem:s6+$0xFFFFFFB0];
	(erf) = vpow2.f32 v5  }
0x11f: {  	v7 =	vsub.f32 v7, v0;
	v5 =	vld [tilespmem:s6+$0xFFFFFFC0];
	(erf) = vpow2.f32 v3  }
0x120: {  	v3 =	vld [tilespmem:s6+$0xFFFFFFD0];
	(erf) = vpow2.f32 v2  }
0x121: {  	v13 =	vmul.f32 $1.442695020e+00, v7;
	v2 =	vld [tilespmem:s6+$0xFFFFFFE0]  }
0x122: {  	v23 =	vld [tilespmem:s6+$0xFFFFFFF0]  }
0x123: {  	v11 =	vld.idx.msk [tilespmem:v11+s8+$0x0], $0xffff;
	(erf) = vpow2.f32 v13;
	v7 =	vpop (erf)  }
0x124: {  	v9 =	vld.idx.msk [tilespmem:v9+s8+$0x0], $0xffff;
	[tilespmem:s7+$0xFFFFFF90] =	vst v7;
	v7 =	vpop (erf)  }
0x125: {  	v4 =	vld.idx.msk [tilespmem:v4+s8+$0x0], $0xffff;
	[tilespmem:s7+$0xFFFFFFA0] =	vst v7;
	v7 =	vpop (erf)  }
0x126: {  	v6 =	vld.idx.msk [tilespmem:v6+s8+$0x0], $0xffff;
	[tilespmem:s7+$0xFFFFFFB0] =	vst v7;
	v7 =	vpop (erf)  }
0x127: {  	v16 =	vld.idx.msk [tilespmem:v16+s8+$0x0], $0xffff;
	[tilespmem:s7+$0xFFFFFFC0] =	vst v7;
	v7 =	vpop (erf)  }
0x128: {  	v18 =	vld.idx.msk [tilespmem:v18+s8+$0x0], $0xffff;
	[tilespmem:s7+$0xFFFFFFD0] =	vst v7;
	v7 =	vpop (erf)  }
0x129: {  	v15 =	vld.idx.msk [tilespmem:v15+s8+$0x0], $0xffff;
	[tilespmem:s7+$0xFFFFFFE0] =	vst v7;
	v7 =	vpop (erf)  }
0x12a: {  	v1 =	vld.idx.msk [tilespmem:v1+s8+$0x0], $0xffff;
	[tilespmem:s7+$0xFFFFFFF0] =	vst v7  }
0x12b: {  	v7 =	vld.idx.msk [tilespmem:v17+s8+$0x0], $0xffff  }
0x12c: {  	s7 =	sadd.s32 $0x80, s7;
	v17 =	vld.idx.msk [tilespmem:v19+s8+$0x0], $0xffff;
	v13 =	vpop (erf)  }
0x12d: {  	v19 =	vld.idx.msk [tilespmem:v20+s8+$0x0], $0xffff;
	[tilespmem:s7+$0x0] =	vst v13  }
0x12e: {  	v20 =	vld.idx.msk [tilespmem:v21+s8+$0x0], $0xffff  }
0x12f: {  	v14 =	vld.idx.msk [tilespmem:v14+s8+$0x0], $0xffff  }
0x130: {  	v1 =	vadd.f32 v11, v1;
	v21 =	vld.idx.msk [tilespmem:v22+s8+$0x0], $0xffff  }
0x131: {  	v13 =	vadd.f32 v9, v7;
	v22 =	vld.idx.msk [tilespmem:v12+s9+$0x0], $0xffff  }
0x132: {  	v11 =	vadd.f32 v4, v17;
	v12 =	vld.idx.msk [tilespmem:v10+s9+$0x0], $0xffff  }
.Ltmp1:
0x133: {  	v10 =	vld.idx.msk [tilespmem:v8+s9+$0x0], $0xffff;
	v8 =	vadd.f32 v6, v19;
	(pc) =	sbr.rel @p0 .LBB2_3-.Ltmp1, $4  }
0x134: {  	v7 =	vadd.f32 v16, v20;
	v9 =	vld.idx.msk [tilespmem:v5+s9+$0x0], $0xffff  }
0x135: {  	v5 =	vld.idx.msk [tilespmem:v3+s9+$0x0], $0xffff;
	v3 =	vadd.f32 v18, v14  }
0x136: {  	v4 =	vld.idx.msk [tilespmem:v2+s9+$0x0], $0xffff;
	v2 =	vadd.f32 v15, v21  }
0x137: {  	s11 =	sadd.s32 $0x80, s11;
	v1 =	vadd.f32 v22, v1;
	v6 =	vld.idx.msk [tilespmem:v23+s9+$0x0], $0xffff  }
0x138: {  	v12 =	vadd.f32 v12, v13  }
0x139: {  	v10 =	vadd.f32 v10, v11;
	vm0 =	vge.f32 v1, $0.0e+00  }
0x13a: {  	v11 =	vmul.f32 $2.000000030e-01, v1;
	v8 =	vadd.f32 v9, v8;
	vm1 =	vge.f32 v12, $0.0e+00  }
0x13b: {  	v9 =	vmul.f32 $2.000000030e-01, v12;
	vm2 =	vge.f32 v10, $0.0e+00;
	v5 =	vadd.f32 v5, v7  }
0x13c: {  	v7 =	vmul.f32 $2.000000030e-01, v10;
	vm3 =	vge.f32 v8, $0.0e+00;
	v3 =	vadd.f32 v4, v3  }
0x13d: {  	v4 =	vmul.f32 $2.000000030e-01, v8;
	v1 =	vsel vm0, v1, v11;
	v13 =	vmul.f32 $2.000000030e-01, v5  }
0x13e: {  	v2 =	vadd.f32 v6, v2;
	vm4 =	vge.f32 v5, $0.0e+00;
	v9 =	vsel vm1, v12, v9  }
0x13f: {  	v7 =	vsel vm2, v10, v7;
	v1 =	vsub.f32 v1, v0;
	vm5 =	vge.f32 v3, $0.0e+00  }
0x140: {  	v6 =	vmul.f32 $2.000000030e-01, v3;
	v4 =	vsel vm3, v8, v4;
	v8 =	vsub.f32 v9, v0  }
0x141: {  	vm6 =	vge.f32 v2, $0.0e+00;
	v14 =	vmul.f32 $2.000000030e-01, v2;
	v5 =	vsel vm4, v5, v13  }
0x142: {  	v1 =	vmul.f32 $1.442695020e+00, v1;
	v3 =	vsel vm5, v3, v6;
	v6 =	vsub.f32 v7, v0  }
0x143: {  	v4 =	vsub.f32 v4, v0;
	v7 =	vmul.f32 $1.442695020e+00, v8;
	v5 =	vsub.f32 v5, v0  }
0x144: {  	v2 =	vsel vm6, v2, v14;
	(erf) = vpow2.f32 v1;
	v6 =	vmul.f32 $1.442695020e+00, v6  }
0x145: {  	v1 =	vsub.f32 v3, v0;
	v3 =	vmul.f32 $1.442695020e+00, v4;
	(erf) = vpow2.f32 v7  }
0x146: {  	v2 =	vsub.f32 v2, v0;
	v4 =	vmul.f32 $1.442695020e+00, v5;
	(erf) = vpow2.f32 v6  }
0x147: {  	v1 =	vmul.f32 $1.442695020e+00, v1;
	(erf) = vpow2.f32 v3  }
0x148: {  	v2 =	vmul.f32 $1.442695020e+00, v2;
	(erf) = vpow2.f32 v4  }
0x149: {  	(erf) = vpow2.f32 v1  }
0x14a: {  	(erf) = vpow2.f32 v2;
	_ =	sdelay $0x2  }
0x14b: {  	v1 =	vpop (erf)  }
0x14c: {  	[tilespmem:s7+$0xFFFFFF90] =	vst v1;
	v1 =	vpop (erf)  }
0x14d: {  	[tilespmem:s7+$0xFFFFFFA0] =	vst v1;
	v1 =	vpop (erf)  }
0x14e: {  	[tilespmem:s7+$0xFFFFFFB0] =	vst v1;
	v1 =	vpop (erf)  }
0x14f: {  	[tilespmem:s7+$0xFFFFFFC0] =	vst v1;
	v1 =	vpop (erf)  }
0x150: {  	[tilespmem:s7+$0xFFFFFFD0] =	vst v1;
	v1 =	vpop (erf)  }
0x151: {  	s5 =	simm.s32 $0xA00;
	[tilespmem:s7+$0xFFFFFFE0] =	vst v1;
	v1 =	vpop (erf)  }
0x152: {  	s6 =	simm.s32 $0x3180;
	s30 =	simm.s32 $0xCF80;
	s31 =	simm.s32 $0x1470;
	[tilespmem:s7+$0xFFFFFFF0] =	vst v1  }
0x153: {  	[spmem:s4] =	stream.indirect.scatter.add.f32 [tilespmem:s30], [sflag:$0x2], $0x1, s6, s5, $0xb8;
	[tilespmem:$0x11780] =	vst v63  }
0x154: {  	s5 =	simm.s32 $0x3BC0;
	v1 =	vld [tilespmem:s31+$0x0]  }
0x155: {  	v2 =	vld [tilespmem:s5+$0x30]  }
0x156: {  	v3 =	vld [tilespmem:s31+$0xFFFFFF90]  }
0x157: {  	s6 =	simm.s32 $0x6370;
	v4 =	vld [tilespmem:s31+$0xFFFFFFA0]  }
0x158: {  	v5 =	vld [tilespmem:s6+$0x0]  }
0x159: {  	v6 =	vld [tilespmem:s31+$0xFFFFFFB0]  }
0x15a: {  	v7 =	vld [tilespmem:s31+$0xFFFFFFC0]  }
0x15b: {  	v8 =	vld [tilespmem:s31+$0xFFFFFFD0]  }
0x15c: {  	v9 =	vld [tilespmem:s31+$0xFFFFFFE0]  }
0x15d: {  	v10 =	vld [tilespmem:s31+$0xFFFFFFF0]  }
0x15e: {  	v11 =	vld [tilespmem:s5+$0xFFFFFFD0]  }
0x15f: {  	v12 =	vld [tilespmem:s5+$0xFFFFFFE0]  }
0x160: {  	v13 =	vld [tilespmem:s5+$0xFFFFFFF0]  }
0x161: {  	v14 =	vld [tilespmem:s5+$0x0]  }
0x162: {  	v15 =	vld [tilespmem:s5+$0x10]  }
0x163: {  	v16 =	vld [tilespmem:s5+$0x20]  }
0x164: {  	v17 =	vld [tilespmem:s5+$0xFFFFFFC0];
	v1 =	vadd.s32 $0x2710, v1  }
0x165: {  	v18 =	vld [tilespmem:s6+$0xFFFFFF90]  }
0x166: {  	v19 =	vld [tilespmem:s6+$0xFFFFFFA0]  }
0x167: {  	s8 =	simm.s32 $0x7680;
	v20 =	vld [tilespmem:s6+$0xFFFFFFB0]  }
0x168: {  	v2 =	vld.idx.msk [tilespmem:v2+s8+$0x0], $0xffff  }
0x169: {  	v1 =	vld.idx.msk [tilespmem:v1+s8+$0x0], $0xffff  }
0x16a: {  	s9 =	simm.s32 $0xC500;
	v21 =	vld [tilespmem:s6+$0xFFFFFFC0]  }
0x16b: {  	v5 =	vld.idx.msk [tilespmem:v5+s9+$0x0], $0xffff  }
0x16c: {  	v22 =	vld [tilespmem:s6+$0xFFFFFFD0]  }
0x16d: {  	v23 =	vld [tilespmem:s6+$0xFFFFFFE0];
	v6 =	vadd.s32 $0x2710, v6  }
0x16e: {  	v24 =	vld [tilespmem:s6+$0xFFFFFFF0];
	v1 =	vadd.f32 v1, v2  }
0x16f: {  	v3 =	vadd.s32 $0x2710, v3;
	v14 =	vld.idx.msk [tilespmem:v14+s8+$0x0], $0xffff  }
0x170: {  	v4 =	vadd.s32 $0x2710, v4;
	v15 =	vld.idx.msk [tilespmem:v15+s8+$0x0], $0xffff;
	v1 =	vadd.f32 v5, v1  }
0x171: {  	v7 =	vadd.s32 $0x2710, v7;
	v16 =	vld.idx.msk [tilespmem:v16+s8+$0x0], $0xffff  }
0x172: {  	v8 =	vadd.s32 $0x2710, v8;
	v5 =	vld.idx.msk [tilespmem:v6+s8+$0x0], $0xffff;
	v6 =	vmul.f32 $2.000000030e-01, v1  }
0x173: {  	v62 =	vld.idx.msk [tilespmem:v18+s9+$0x0], $0xffff;
	vm15 =	vge.f32 v1, $0.0e+00  }
0x174: {  	v3 =	vld.idx.msk [tilespmem:v3+s8+$0x0], $0xffff;
	v2 =	vadd.s32 $0x2710, v9;
	v1 =	vsel vm15, v1, v6  }
0x175: {  	v4 =	vld.idx.msk [tilespmem:v4+s8+$0x0], $0xffff;
	v9 =	vadd.s32 $0x2710, v10;
	v1 =	vsub.f32 v1, v0  }
0x176: {  	v7 =	vld.idx.msk [tilespmem:v7+s8+$0x0], $0xffff  }
0x177: {  	v25 =	vld.idx.msk [tilespmem:v8+s8+$0x0], $0xffff;
	v1 =	vmul.f32 $1.442695020e+00, v1  }
0x178: {  	v8 =	vld.idx.msk [tilespmem:v17+s8+$0x0], $0xffff  }
0x179: {  	v2 =	vld.idx.msk [tilespmem:v2+s8+$0x0], $0xffff;
	(erf) = vpow2.f32 v1  }
0x17a: {  	v6 =	vld.idx.msk [tilespmem:v9+s8+$0x0], $0xffff  }
0x17b: {  	v9 =	vld.idx.msk [tilespmem:v11+s8+$0x0], $0xffff  }
0x17c: {  	v11 =	vld.idx.msk [tilespmem:v12+s8+$0x0], $0xffff  }
0x17d: {  	v1 =	vld.idx.msk [tilespmem:v13+s8+$0x0], $0xffff  }
0x17e: {  	v10 =	vld.idx.msk [tilespmem:v20+s9+$0x0], $0xffff  }
0x17f: {  	v12 =	vld.idx.msk [tilespmem:v19+s9+$0x0], $0xffff  }
0x180: {  	v63 =	vadd.f32 v3, v8;
	v13 =	vadd.f32 v4, v9;
	v9 =	vld.idx.msk [tilespmem:v21+s9+$0x0], $0xffff  }
0x181: {  	v3 =	vadd.f32 v2, v15;
	v11 =	vadd.f32 v5, v11;
	v5 =	vld.idx.msk [tilespmem:v22+s9+$0x0], $0xffff  }
0x182: {  	s7 =	simm.s32 $0xD9F0;
	v4 =	vld.idx.msk [tilespmem:v23+s9+$0x0], $0xffff;
	v2 =	vadd.f32 v6, v16;
	v8 =	vadd.f32 v7, v1;
	v1 =	vpop (erf)  }
0x183: {  	s10 =	simm.s32 $0x0;
	s11 =	simm.s32 $0x14F0;
	v6 =	vld.idx.msk [tilespmem:v24+s9+$0x0], $0xffff;
	v7 =	vadd.f32 v25, v14;
	[tilespmem:s7+$0x0] =	vst v1;
	v1 =	vadd.f32 v62, v63  }
.LBB2_5:
0x184: {  	v14 =	vld [tilespmem:s11+$0x0];
	s10 =	sadd.s32 $0x80, s10;
	v12 =	vadd.f32 v12, v13;
	s5 =	sadd.s32 $0x80, s5  }
0x185: {  	v10 =	vadd.f32 v10, v11;
	v13 =	vld [tilespmem:s5+$0x30];
	p0 =	slt.u32 s10, $0x980;
	vm0 =	vge.f32 v1, $0.0e+00;
	v15 =	vmul.f32 $2.000000030e-01, v1  }
0x186: {  	v8 =	vadd.f32 v9, v8;
	v11 =	vld [tilespmem:s11+$0xFFFFFF90];
	vm1 =	vge.f32 v12, $0.0e+00;
	v16 =	vmul.f32 $2.000000030e-01, v12  }
0x187: {  	s6 =	sadd.s32 $0x80, s6;
	vm2 =	vge.f32 v10, $0.0e+00;
	v17 =	vmul.f32 $2.000000030e-01, v10;
	v5 =	vadd.f32 v5, v7;
	v9 =	vld [tilespmem:s11+$0xFFFFFFA0]  }
0x188: {  	vm3 =	vge.f32 v8, $0.0e+00;
	v18 =	vmul.f32 $2.000000030e-01, v8;
	v3 =	vadd.f32 v4, v3;
	v7 =	vld [tilespmem:s6+$0x0]  }
0x189: {  	v19 =	vmul.f32 $2.000000030e-01, v5;
	v2 =	vadd.f32 v6, v2;
	v4 =	vld [tilespmem:s11+$0xFFFFFFB0];
	v14 =	vadd.s32 $0x2710, v14  }
0x18a: {  	vm4 =	vge.f32 v5, $0.0e+00;
	vm5 =	vge.f32 v3, $0.0e+00;
	v20 =	vmul.f32 $2.000000030e-01, v3;
	v6 =	vld [tilespmem:s11+$0xFFFFFFC0]  }
0x18b: {  	vm6 =	vge.f32 v2, $0.0e+00;
	v22 =	vmul.f32 $2.000000030e-01, v2;
	v11 =	vadd.s32 $0x2710, v11;
	v21 =	vld [tilespmem:s11+$0xFFFFFFD0]  }
0x18c: {  	v1 =	vsel vm0, v1, v15;
	v12 =	vsel vm1, v12, v16;
	v9 =	vadd.s32 $0x2710, v9;
	v23 =	vld [tilespmem:s11+$0xFFFFFFE0]  }
0x18d: {  	v10 =	vsel vm2, v10, v17;
	v8 =	vsel vm3, v8, v18;
	v5 =	vsel vm4, v5, v19;
	v13 =	vld.idx.msk [tilespmem:v13+s8+$0x0], $0xffff  }
0x18e: {  	v3 =	vsel vm5, v3, v20;
	v2 =	vsel vm6, v2, v22;
	v4 =	vadd.s32 $0x2710, v4;
	v14 =	vld.idx.msk [tilespmem:v14+s8+$0x0], $0xffff  }
0x18f: {  	v1 =	vsub.f32 v1, v0;
	v12 =	vsub.f32 v12, v0;
	v6 =	vadd.s32 $0x2710, v6;
	v15 =	vld [tilespmem:s11+$0xFFFFFFF0]  }
0x190: {  	v10 =	vsub.f32 v10, v0;
	v8 =	vsub.f32 v8, v0;
	v16 =	vadd.s32 $0x2710, v21;
	v7 =	vld.idx.msk [tilespmem:v7+s9+$0x0], $0xffff  }
0x191: {  	v5 =	vsub.f32 v5, v0;
	v3 =	vsub.f32 v3, v0;
	v17 =	vld [tilespmem:s5+$0xFFFFFFD0];
	v18 =	vadd.s32 $0x2710, v23  }
0x192: {  	v1 =	vmul.f32 $1.442695020e+00, v1;
	v12 =	vmul.f32 $1.442695020e+00, v12;
	v2 =	vsub.f32 v2, v0;
	v19 =	vld [tilespmem:s5+$0xFFFFFFE0]  }
0x193: {  	v10 =	vmul.f32 $1.442695020e+00, v10;
	v8 =	vmul.f32 $1.442695020e+00, v8;
	v20 =	vld [tilespmem:s5+$0xFFFFFFF0]  }
0x194: {  	v5 =	vmul.f32 $1.442695020e+00, v5;
	v13 =	vadd.f32 v14, v13;
	v21 =	vld [tilespmem:s5+$0x0];
	v15 =	vadd.s32 $0x2710, v15  }
0x195: {  	v3 =	vmul.f32 $1.442695020e+00, v3;
	v2 =	vmul.f32 $1.442695020e+00, v2;
	v14 =	vld [tilespmem:s5+$0x10]  }
0x196: {  	v7 =	vadd.f32 v7, v13;
	v22 =	vld [tilespmem:s5+$0x20];
	(erf) = vpow2.f32 v1  }
0x197: {  	v1 =	vld [tilespmem:s5+$0xFFFFFFC0];
	(erf) = vpow2.f32 v12  }
0x198: {  	v13 =	vmul.f32 $2.000000030e-01, v7;
	v12 =	vld [tilespmem:s6+$0xFFFFFF90];
	(erf) = vpow2.f32 v10  }
0x199: {  	vm0 =	vge.f32 v7, $0.0e+00;
	v10 =	vld [tilespmem:s6+$0xFFFFFFA0];
	(erf) = vpow2.f32 v8  }
0x19a: {  	v7 =	vsel vm0, v7, v13;
	v8 =	vld [tilespmem:s6+$0xFFFFFFB0];
	(erf) = vpow2.f32 v5  }
0x19b: {  	v7 =	vsub.f32 v7, v0;
	v5 =	vld [tilespmem:s6+$0xFFFFFFC0];
	(erf) = vpow2.f32 v3  }
0x19c: {  	v3 =	vld [tilespmem:s6+$0xFFFFFFD0];
	(erf) = vpow2.f32 v2  }
0x19d: {  	v13 =	vmul.f32 $1.442695020e+00, v7;
	v2 =	vld [tilespmem:s6+$0xFFFFFFE0]  }
0x19e: {  	v23 =	vld [tilespmem:s6+$0xFFFFFFF0]  }
0x19f: {  	v11 =	vld.idx.msk [tilespmem:v11+s8+$0x0], $0xffff;
	(erf) = vpow2.f32 v13;
	v7 =	vpop (erf)  }
0x1a0: {  	v9 =	vld.idx.msk [tilespmem:v9+s8+$0x0], $0xffff;
	[tilespmem:s7+$0xFFFFFF90] =	vst v7;
	v7 =	vpop (erf)  }
0x1a1: {  	v4 =	vld.idx.msk [tilespmem:v4+s8+$0x0], $0xffff;
	[tilespmem:s7+$0xFFFFFFA0] =	vst v7;
	v7 =	vpop (erf)  }
0x1a2: {  	v6 =	vld.idx.msk [tilespmem:v6+s8+$0x0], $0xffff;
	[tilespmem:s7+$0xFFFFFFB0] =	vst v7;
	v7 =	vpop (erf)  }
0x1a3: {  	v16 =	vld.idx.msk [tilespmem:v16+s8+$0x0], $0xffff;
	[tilespmem:s7+$0xFFFFFFC0] =	vst v7;
	v7 =	vpop (erf)  }
0x1a4: {  	v18 =	vld.idx.msk [tilespmem:v18+s8+$0x0], $0xffff;
	[tilespmem:s7+$0xFFFFFFD0] =	vst v7;
	v7 =	vpop (erf)  }
0x1a5: {  	v15 =	vld.idx.msk [tilespmem:v15+s8+$0x0], $0xffff;
	[tilespmem:s7+$0xFFFFFFE0] =	vst v7;
	v7 =	vpop (erf)  }
0x1a6: {  	v1 =	vld.idx.msk [tilespmem:v1+s8+$0x0], $0xffff;
	[tilespmem:s7+$0xFFFFFFF0] =	vst v7  }
0x1a7: {  	v7 =	vld.idx.msk [tilespmem:v17+s8+$0x0], $0xffff  }
0x1a8: {  	s7 =	sadd.s32 $0x80, s7;
	v17 =	vld.idx.msk [tilespmem:v19+s8+$0x0], $0xffff;
	v13 =	vpop (erf)  }
0x1a9: {  	v19 =	vld.idx.msk [tilespmem:v20+s8+$0x0], $0xffff;
	[tilespmem:s7+$0x0] =	vst v13  }
0x1aa: {  	v20 =	vld.idx.msk [tilespmem:v21+s8+$0x0], $0xffff  }
0x1ab: {  	v14 =	vld.idx.msk [tilespmem:v14+s8+$0x0], $0xffff  }
0x1ac: {  	v1 =	vadd.f32 v11, v1;
	v21 =	vld.idx.msk [tilespmem:v22+s8+$0x0], $0xffff  }
0x1ad: {  	v13 =	vadd.f32 v9, v7;
	v22 =	vld.idx.msk [tilespmem:v12+s9+$0x0], $0xffff  }
0x1ae: {  	v11 =	vadd.f32 v4, v17;
	v12 =	vld.idx.msk [tilespmem:v10+s9+$0x0], $0xffff  }
.Ltmp2:
0x1af: {  	v10 =	vld.idx.msk [tilespmem:v8+s9+$0x0], $0xffff;
	v8 =	vadd.f32 v6, v19;
	(pc) =	sbr.rel @p0 .LBB2_5-.Ltmp2, $4  }
0x1b0: {  	v7 =	vadd.f32 v16, v20;
	v9 =	vld.idx.msk [tilespmem:v5+s9+$0x0], $0xffff  }
0x1b1: {  	v5 =	vld.idx.msk [tilespmem:v3+s9+$0x0], $0xffff;
	v3 =	vadd.f32 v18, v14  }
0x1b2: {  	v4 =	vld.idx.msk [tilespmem:v2+s9+$0x0], $0xffff;
	v2 =	vadd.f32 v15, v21  }
0x1b3: {  	s11 =	sadd.s32 $0x80, s11;
	v1 =	vadd.f32 v22, v1;
	v6 =	vld.idx.msk [tilespmem:v23+s9+$0x0], $0xffff  }
0x1b4: {  	v12 =	vadd.f32 v12, v13  }
0x1b5: {  	v10 =	vadd.f32 v10, v11;
	vm0 =	vge.f32 v1, $0.0e+00  }
0x1b6: {  	v11 =	vmul.f32 $2.000000030e-01, v1;
	v8 =	vadd.f32 v9, v8;
	vm1 =	vge.f32 v12, $0.0e+00  }
0x1b7: {  	v9 =	vmul.f32 $2.000000030e-01, v12;
	vm2 =	vge.f32 v10, $0.0e+00;
	v5 =	vadd.f32 v5, v7  }
0x1b8: {  	v7 =	vmul.f32 $2.000000030e-01, v10;
	vm3 =	vge.f32 v8, $0.0e+00;
	v3 =	vadd.f32 v4, v3  }
0x1b9: {  	v4 =	vmul.f32 $2.000000030e-01, v8;
	v1 =	vsel vm0, v1, v11;
	v13 =	vmul.f32 $2.000000030e-01, v5  }
0x1ba: {  	v2 =	vadd.f32 v6, v2;
	vm4 =	vge.f32 v5, $0.0e+00;
	v9 =	vsel vm1, v12, v9  }
0x1bb: {  	v7 =	vsel vm2, v10, v7;
	v1 =	vsub.f32 v1, v0;
	vm5 =	vge.f32 v3, $0.0e+00  }
0x1bc: {  	v6 =	vmul.f32 $2.000000030e-01, v3;
	v4 =	vsel vm3, v8, v4;
	v8 =	vsub.f32 v9, v0  }
0x1bd: {  	vm6 =	vge.f32 v2, $0.0e+00;
	v14 =	vmul.f32 $2.000000030e-01, v2;
	v5 =	vsel vm4, v5, v13  }
0x1be: {  	v1 =	vmul.f32 $1.442695020e+00, v1;
	v3 =	vsel vm5, v3, v6;
	v6 =	vsub.f32 v7, v0  }
0x1bf: {  	v4 =	vsub.f32 v4, v0;
	v7 =	vmul.f32 $1.442695020e+00, v8;
	v5 =	vsub.f32 v5, v0  }
0x1c0: {  	v2 =	vsel vm6, v2, v14;
	(erf) = vpow2.f32 v1;
	v6 =	vmul.f32 $1.442695020e+00, v6  }
0x1c1: {  	v1 =	vsub.f32 v3, v0;
	v3 =	vmul.f32 $1.442695020e+00, v4;
	(erf) = vpow2.f32 v7  }
0x1c2: {  	v2 =	vsub.f32 v2, v0;
	v4 =	vmul.f32 $1.442695020e+00, v5;
	(erf) = vpow2.f32 v6  }
0x1c3: {  	v1 =	vmul.f32 $1.442695020e+00, v1;
	(erf) = vpow2.f32 v3  }
0x1c4: {  	v2 =	vmul.f32 $1.442695020e+00, v2;
	(erf) = vpow2.f32 v4  }
0x1c5: {  	(erf) = vpow2.f32 v1  }
0x1c6: {  	(erf) = vpow2.f32 v2;
	_ =	sdelay $0x2  }
0x1c7: {  	v1 =	vpop (erf)  }
0x1c8: {  	[tilespmem:s7+$0xFFFFFF90] =	vst v1;
	v1 =	vpop (erf)  }
0x1c9: {  	[tilespmem:s7+$0xFFFFFFA0] =	vst v1;
	v1 =	vpop (erf)  }
0x1ca: {  	[tilespmem:s7+$0xFFFFFFB0] =	vst v1;
	v1 =	vpop (erf)  }
0x1cb: {  	[tilespmem:s7+$0xFFFFFFC0] =	vst v1;
	v1 =	vpop (erf)  }
0x1cc: {  	[tilespmem:s7+$0xFFFFFFD0] =	vst v1;
	v1 =	vpop (erf)  }
0x1cd: {  	s5 =	simm.s32 $0xA00;
	[tilespmem:s7+$0xFFFFFFE0] =	vst v1;
	v1 =	vpop (erf)  }
0x1ce: {  	s6 =	simm.s32 $0x3B80;
	s30 =	simm.s32 $0xD980;
	s31 =	simm.s32 $0x1E70;
	[tilespmem:s7+$0xFFFFFFF0] =	vst v1  }
0x1cf: {  	[spmem:s4] =	stream.indirect.scatter.add.f32 [tilespmem:s30], [sflag:$0x2], $0x1, s6, s5, $0xb8;
	[tilespmem:$0x11780] =	vst v63  }
0x1d0: {  	s5 =	simm.s32 $0x45C0;
	v1 =	vld [tilespmem:s31+$0x0]  }
0x1d1: {  	v2 =	vld [tilespmem:s5+$0x30]  }
0x1d2: {  	v3 =	vld [tilespmem:s31+$0xFFFFFF90]  }
0x1d3: {  	s6 =	simm.s32 $0x6D70;
	v4 =	vld [tilespmem:s31+$0xFFFFFFA0]  }
0x1d4: {  	v5 =	vld [tilespmem:s6+$0x0]  }
0x1d5: {  	v6 =	vld [tilespmem:s31+$0xFFFFFFB0]  }
0x1d6: {  	v7 =	vld [tilespmem:s31+$0xFFFFFFC0]  }
0x1d7: {  	v8 =	vld [tilespmem:s31+$0xFFFFFFD0]  }
0x1d8: {  	v9 =	vld [tilespmem:s31+$0xFFFFFFE0]  }
0x1d9: {  	v10 =	vld [tilespmem:s31+$0xFFFFFFF0]  }
0x1da: {  	v11 =	vld [tilespmem:s5+$0xFFFFFFD0]  }
0x1db: {  	v12 =	vld [tilespmem:s5+$0xFFFFFFE0]  }
0x1dc: {  	v13 =	vld [tilespmem:s5+$0xFFFFFFF0]  }
0x1dd: {  	v14 =	vld [tilespmem:s5+$0x0]  }
0x1de: {  	v15 =	vld [tilespmem:s5+$0x10]  }
0x1df: {  	v16 =	vld [tilespmem:s5+$0x20]  }
0x1e0: {  	v17 =	vld [tilespmem:s5+$0xFFFFFFC0];
	v1 =	vadd.s32 $0x2710, v1  }
0x1e1: {  	v18 =	vld [tilespmem:s6+$0xFFFFFF90]  }
0x1e2: {  	v19 =	vld [tilespmem:s6+$0xFFFFFFA0]  }
0x1e3: {  	s8 =	simm.s32 $0x7680;
	v20 =	vld [tilespmem:s6+$0xFFFFFFB0]  }
0x1e4: {  	v2 =	vld.idx.msk [tilespmem:v2+s8+$0x0], $0xffff  }
0x1e5: {  	v1 =	vld.idx.msk [tilespmem:v1+s8+$0x0], $0xffff  }
0x1e6: {  	s9 =	simm.s32 $0xC500;
	v21 =	vld [tilespmem:s6+$0xFFFFFFC0]  }
0x1e7: {  	v5 =	vld.idx.msk [tilespmem:v5+s9+$0x0], $0xffff  }
0x1e8: {  	v22 =	vld [tilespmem:s6+$0xFFFFFFD0]  }
0x1e9: {  	v23 =	vld [tilespmem:s6+$0xFFFFFFE0];
	v6 =	vadd.s32 $0x2710, v6  }
0x1ea: {  	v24 =	vld [tilespmem:s6+$0xFFFFFFF0];
	v1 =	vadd.f32 v1, v2  }
0x1eb: {  	v3 =	vadd.s32 $0x2710, v3;
	v14 =	vld.idx.msk [tilespmem:v14+s8+$0x0], $0xffff  }
0x1ec: {  	v4 =	vadd.s32 $0x2710, v4;
	v15 =	vld.idx.msk [tilespmem:v15+s8+$0x0], $0xffff;
	v1 =	vadd.f32 v5, v1  }
0x1ed: {  	v7 =	vadd.s32 $0x2710, v7;
	v16 =	vld.idx.msk [tilespmem:v16+s8+$0x0], $0xffff  }
0x1ee: {  	v8 =	vadd.s32 $0x2710, v8;
	v5 =	vld.idx.msk [tilespmem:v6+s8+$0x0], $0xffff;
	v6 =	vmul.f32 $2.000000030e-01, v1  }
0x1ef: {  	v62 =	vld.idx.msk [tilespmem:v18+s9+$0x0], $0xffff;
	vm15 =	vge.f32 v1, $0.0e+00  }
0x1f0: {  	v3 =	vld.idx.msk [tilespmem:v3+s8+$0x0], $0xffff;
	v2 =	vadd.s32 $0x2710, v9;
	v1 =	vsel vm15, v1, v6  }
0x1f1: {  	v4 =	vld.idx.msk [tilespmem:v4+s8+$0x0], $0xffff;
	v9 =	vadd.s32 $0x2710, v10;
	v1 =	vsub.f32 v1, v0  }
0x1f2: {  	v7 =	vld.idx.msk [tilespmem:v7+s8+$0x0], $0xffff  }
0x1f3: {  	v25 =	vld.idx.msk [tilespmem:v8+s8+$0x0], $0xffff;
	v1 =	vmul.f32 $1.442695020e+00, v1  }
0x1f4: {  	v8 =	vld.idx.msk [tilespmem:v17+s8+$0x0], $0xffff  }
0x1f5: {  	v2 =	vld.idx.msk [tilespmem:v2+s8+$0x0], $0xffff;
	(erf) = vpow2.f32 v1  }
0x1f6: {  	v6 =	vld.idx.msk [tilespmem:v9+s8+$0x0], $0xffff  }
0x1f7: {  	v9 =	vld.idx.msk [tilespmem:v11+s8+$0x0], $0xffff  }
0x1f8: {  	v11 =	vld.idx.msk [tilespmem:v12+s8+$0x0], $0xffff  }
0x1f9: {  	v1 =	vld.idx.msk [tilespmem:v13+s8+$0x0], $0xffff  }
0x1fa: {  	v10 =	vld.idx.msk [tilespmem:v20+s9+$0x0], $0xffff  }
0x1fb: {  	v12 =	vld.idx.msk [tilespmem:v19+s9+$0x0], $0xffff  }
0x1fc: {  	v63 =	vadd.f32 v3, v8;
	v13 =	vadd.f32 v4, v9;
	v9 =	vld.idx.msk [tilespmem:v21+s9+$0x0], $0xffff  }
0x1fd: {  	v3 =	vadd.f32 v2, v15;
	v11 =	vadd.f32 v5, v11;
	v5 =	vld.idx.msk [tilespmem:v22+s9+$0x0], $0xffff  }
0x1fe: {  	s7 =	simm.s32 $0xE3F0;
	v4 =	vld.idx.msk [tilespmem:v23+s9+$0x0], $0xffff;
	v2 =	vadd.f32 v6, v16;
	v8 =	vadd.f32 v7, v1;
	v1 =	vpop (erf)  }
0x1ff: {  	s10 =	simm.s32 $0x0;
	s11 =	simm.s32 $0x1EF0;
	v6 =	vld.idx.msk [tilespmem:v24+s9+$0x0], $0xffff;
	v7 =	vadd.f32 v25, v14;
	[tilespmem:s7+$0x0] =	vst v1;
	v1 =	vadd.f32 v62, v63  }
.LBB2_7:
0x200: {  	v14 =	vld [tilespmem:s11+$0x0];
	s10 =	sadd.s32 $0x80, s10;
	v12 =	vadd.f32 v12, v13;
	s5 =	sadd.s32 $0x80, s5  }
0x201: {  	v10 =	vadd.f32 v10, v11;
	v13 =	vld [tilespmem:s5+$0x30];
	p0 =	slt.u32 s10, $0x880;
	vm0 =	vge.f32 v1, $0.0e+00;
	v15 =	vmul.f32 $2.000000030e-01, v1  }
0x202: {  	v8 =	vadd.f32 v9, v8;
	v11 =	vld [tilespmem:s11+$0xFFFFFF90];
	vm1 =	vge.f32 v12, $0.0e+00;
	v16 =	vmul.f32 $2.000000030e-01, v12  }
0x203: {  	s6 =	sadd.s32 $0x80, s6;
	vm2 =	vge.f32 v10, $0.0e+00;
	v17 =	vmul.f32 $2.000000030e-01, v10;
	v5 =	vadd.f32 v5, v7;
	v9 =	vld [tilespmem:s11+$0xFFFFFFA0]  }
0x204: {  	vm3 =	vge.f32 v8, $0.0e+00;
	v18 =	vmul.f32 $2.000000030e-01, v8;
	v3 =	vadd.f32 v4, v3;
	v7 =	vld [tilespmem:s6+$0x0]  }
0x205: {  	v19 =	vmul.f32 $2.000000030e-01, v5;
	v2 =	vadd.f32 v6, v2;
	v4 =	vld [tilespmem:s11+$0xFFFFFFB0];
	v14 =	vadd.s32 $0x2710, v14  }
0x206: {  	vm4 =	vge.f32 v5, $0.0e+00;
	vm5 =	vge.f32 v3, $0.0e+00;
	v20 =	vmul.f32 $2.000000030e-01, v3;
	v6 =	vld [tilespmem:s11+$0xFFFFFFC0]  }
0x207: {  	vm6 =	vge.f32 v2, $0.0e+00;
	v22 =	vmul.f32 $2.000000030e-01, v2;
	v11 =	vadd.s32 $0x2710, v11;
	v21 =	vld [tilespmem:s11+$0xFFFFFFD0]  }
0x208: {  	v1 =	vsel vm0, v1, v15;
	v12 =	vsel vm1, v12, v16;
	v9 =	vadd.s32 $0x2710, v9;
	v23 =	vld [tilespmem:s11+$0xFFFFFFE0]  }
0x209: {  	v10 =	vsel vm2, v10, v17;
	v8 =	vsel vm3, v8, v18;
	v5 =	vsel vm4, v5, v19;
	v13 =	vld.idx.msk [tilespmem:v13+s8+$0x0], $0xffff  }
0x20a: {  	v3 =	vsel vm5, v3, v20;
	v2 =	vsel vm6, v2, v22;
	v4 =	vadd.s32 $0x2710, v4;
	v14 =	vld.idx.msk [tilespmem:v14+s8+$0x0], $0xffff  }
0x20b: {  	v1 =	vsub.f32 v1, v0;
	v12 =	vsub.f32 v12, v0;
	v6 =	vadd.s32 $0x2710, v6;
	v15 =	vld [tilespmem:s11+$0xFFFFFFF0]  }
0x20c: {  	v10 =	vsub.f32 v10, v0;
	v8 =	vsub.f32 v8, v0;
	v16 =	vadd.s32 $0x2710, v21;
	v7 =	vld.idx.msk [tilespmem:v7+s9+$0x0], $0xffff  }
0x20d: {  	v5 =	vsub.f32 v5, v0;
	v3 =	vsub.f32 v3, v0;
	v17 =	vld [tilespmem:s5+$0xFFFFFFD0];
	v18 =	vadd.s32 $0x2710, v23  }
0x20e: {  	v1 =	vmul.f32 $1.442695020e+00, v1;
	v12 =	vmul.f32 $1.442695020e+00, v12;
	v2 =	vsub.f32 v2, v0;
	v19 =	vld [tilespmem:s5+$0xFFFFFFE0]  }
0x20f: {  	v10 =	vmul.f32 $1.442695020e+00, v10;
	v8 =	vmul.f32 $1.442695020e+00, v8;
	v20 =	vld [tilespmem:s5+$0xFFFFFFF0]  }
0x210: {  	v5 =	vmul.f32 $1.442695020e+00, v5;
	v13 =	vadd.f32 v14, v13;
	v21 =	vld [tilespmem:s5+$0x0];
	v15 =	vadd.s32 $0x2710, v15  }
0x211: {  	v3 =	vmul.f32 $1.442695020e+00, v3;
	v2 =	vmul.f32 $1.442695020e+00, v2;
	v14 =	vld [tilespmem:s5+$0x10]  }
0x212: {  	v7 =	vadd.f32 v7, v13;
	v22 =	vld [tilespmem:s5+$0x20];
	(erf) = vpow2.f32 v1  }
0x213: {  	v1 =	vld [tilespmem:s5+$0xFFFFFFC0];
	(erf) = vpow2.f32 v12  }
0x214: {  	v13 =	vmul.f32 $2.000000030e-01, v7;
	v12 =	vld [tilespmem:s6+$0xFFFFFF90];
	(erf) = vpow2.f32 v10  }
0x215: {  	vm0 =	vge.f32 v7, $0.0e+00;
	v10 =	vld [tilespmem:s6+$0xFFFFFFA0];
	(erf) = vpow2.f32 v8  }
0x216: {  	v7 =	vsel vm0, v7, v13;
	v8 =	vld [tilespmem:s6+$0xFFFFFFB0];
	(erf) = vpow2.f32 v5  }
0x217: {  	v7 =	vsub.f32 v7, v0;
	v5 =	vld [tilespmem:s6+$0xFFFFFFC0];
	(erf) = vpow2.f32 v3  }
0x218: {  	v3 =	vld [tilespmem:s6+$0xFFFFFFD0];
	(erf) = vpow2.f32 v2  }
0x219: {  	v13 =	vmul.f32 $1.442695020e+00, v7;
	v2 =	vld [tilespmem:s6+$0xFFFFFFE0]  }
0x21a: {  	v23 =	vld [tilespmem:s6+$0xFFFFFFF0]  }
0x21b: {  	v11 =	vld.idx.msk [tilespmem:v11+s8+$0x0], $0xffff;
	(erf) = vpow2.f32 v13;
	v7 =	vpop (erf)  }
0x21c: {  	v9 =	vld.idx.msk [tilespmem:v9+s8+$0x0], $0xffff;
	[tilespmem:s7+$0xFFFFFF90] =	vst v7;
	v7 =	vpop (erf)  }
0x21d: {  	v4 =	vld.idx.msk [tilespmem:v4+s8+$0x0], $0xffff;
	[tilespmem:s7+$0xFFFFFFA0] =	vst v7;
	v7 =	vpop (erf)  }
0x21e: {  	v6 =	vld.idx.msk [tilespmem:v6+s8+$0x0], $0xffff;
	[tilespmem:s7+$0xFFFFFFB0] =	vst v7;
	v7 =	vpop (erf)  }
0x21f: {  	v16 =	vld.idx.msk [tilespmem:v16+s8+$0x0], $0xffff;
	[tilespmem:s7+$0xFFFFFFC0] =	vst v7;
	v7 =	vpop (erf)  }
0x220: {  	v18 =	vld.idx.msk [tilespmem:v18+s8+$0x0], $0xffff;
	[tilespmem:s7+$0xFFFFFFD0] =	vst v7;
	v7 =	vpop (erf)  }
0x221: {  	v15 =	vld.idx.msk [tilespmem:v15+s8+$0x0], $0xffff;
	[tilespmem:s7+$0xFFFFFFE0] =	vst v7;
	v7 =	vpop (erf)  }
0x222: {  	v1 =	vld.idx.msk [tilespmem:v1+s8+$0x0], $0xffff;
	[tilespmem:s7+$0xFFFFFFF0] =	vst v7  }
0x223: {  	v7 =	vld.idx.msk [tilespmem:v17+s8+$0x0], $0xffff  }
0x224: {  	s7 =	sadd.s32 $0x80, s7;
	v17 =	vld.idx.msk [tilespmem:v19+s8+$0x0], $0xffff;
	v13 =	vpop (erf)  }
0x225: {  	v19 =	vld.idx.msk [tilespmem:v20+s8+$0x0], $0xffff;
	[tilespmem:s7+$0x0] =	vst v13  }
0x226: {  	v20 =	vld.idx.msk [tilespmem:v21+s8+$0x0], $0xffff  }
0x227: {  	v14 =	vld.idx.msk [tilespmem:v14+s8+$0x0], $0xffff  }
0x228: {  	v1 =	vadd.f32 v11, v1;
	v21 =	vld.idx.msk [tilespmem:v22+s8+$0x0], $0xffff  }
0x229: {  	v13 =	vadd.f32 v9, v7;
	v22 =	vld.idx.msk [tilespmem:v12+s9+$0x0], $0xffff  }
0x22a: {  	v11 =	vadd.f32 v4, v17;
	v12 =	vld.idx.msk [tilespmem:v10+s9+$0x0], $0xffff  }
.Ltmp3:
0x22b: {  	v10 =	vld.idx.msk [tilespmem:v8+s9+$0x0], $0xffff;
	v8 =	vadd.f32 v6, v19;
	(pc) =	sbr.rel @p0 .LBB2_7-.Ltmp3, $4  }
0x22c: {  	v7 =	vadd.f32 v16, v20;
	v9 =	vld.idx.msk [tilespmem:v5+s9+$0x0], $0xffff  }
0x22d: {  	v5 =	vld.idx.msk [tilespmem:v3+s9+$0x0], $0xffff;
	v3 =	vadd.f32 v18, v14  }
0x22e: {  	v4 =	vld.idx.msk [tilespmem:v2+s9+$0x0], $0xffff;
	v2 =	vadd.f32 v15, v21  }
0x22f: {  	s11 =	sadd.s32 $0x80, s11;
	v1 =	vadd.f32 v22, v1;
	v6 =	vld.idx.msk [tilespmem:v23+s9+$0x0], $0xffff  }
0x230: {  	v12 =	vadd.f32 v12, v13  }
0x231: {  	v10 =	vadd.f32 v10, v11;
	vm0 =	vge.f32 v1, $0.0e+00  }
0x232: {  	v47 =	vmul.f32 $2.000000030e-01, v1;
	v8 =	vadd.f32 v9, v8;
	vm1 =	vge.f32 v12, $0.0e+00  }
0x233: {  	v48 =	vmul.f32 $2.000000030e-01, v12;
	vm2 =	vge.f32 v10, $0.0e+00;
	v5 =	vadd.f32 v5, v7  }
0x234: {  	v7 =	vmul.f32 $2.000000030e-01, v10;
	vm3 =	vge.f32 v8, $0.0e+00;
	v3 =	vadd.f32 v4, v3  }
0x235: {  	v4 =	vmul.f32 $2.000000030e-01, v8;
	v1 =	vsel vm0, v1, v47;
	v49 =	vmul.f32 $2.000000030e-01, v5  }
0x236: {  	v2 =	vadd.f32 v6, v2;
	vm4 =	vge.f32 v5, $0.0e+00;
	v9 =	vsel vm1, v12, v48  }
0x237: {  	v7 =	vsel vm2, v10, v7;
	v1 =	vsub.f32 v1, v0;
	vm5 =	vge.f32 v3, $0.0e+00  }
0x238: {  	v6 =	vmul.f32 $2.000000030e-01, v3;
	v4 =	vsel vm3, v8, v4;
	v8 =	vsub.f32 v9, v0  }
0x239: {  	vm6 =	vge.f32 v2, $0.0e+00;
	v14 =	vmul.f32 $2.000000030e-01, v2;
	v5 =	vsel vm4, v5, v49  }
0x23a: {  	v1 =	vmul.f32 $1.442695020e+00, v1;
	v3 =	vsel vm5, v3, v6;
	v6 =	vsub.f32 v7, v0  }
0x23b: {  	v4 =	vsub.f32 v4, v0;
	v7 =	vmul.f32 $1.442695020e+00, v8;
	v5 =	vsub.f32 v5, v0  }
0x23c: {  	v2 =	vsel vm6, v2, v14;
	(erf) = vpow2.f32 v1;
	v6 =	vmul.f32 $1.442695020e+00, v6  }
0x23d: {  	v1 =	vsub.f32 v3, v0;
	v3 =	vmul.f32 $1.442695020e+00, v4;
	(erf) = vpow2.f32 v7  }
0x23e: {  	v2 =	vsub.f32 v2, v0;
	v4 =	vmul.f32 $1.442695020e+00, v5;
	(erf) = vpow2.f32 v6  }
0x23f: {  	v1 =	vmul.f32 $1.442695020e+00, v1;
	(erf) = vpow2.f32 v3  }
0x240: {  	v2 =	vmul.f32 $1.442695020e+00, v2;
	(erf) = vpow2.f32 v4  }
0x241: {  	(erf) = vpow2.f32 v1  }
0x242: {  	(erf) = vpow2.f32 v2;
	_ =	sdelay $0x2  }
0x243: {  	v1 =	vpop (erf)  }
0x244: {  	[tilespmem:s7+$0xFFFFFF90] =	vst v1;
	v1 =	vpop (erf)  }
0x245: {  	[tilespmem:s7+$0xFFFFFFA0] =	vst v1;
	v1 =	vpop (erf)  }
0x246: {  	[tilespmem:s7+$0xFFFFFFB0] =	vst v1;
	v1 =	vpop (erf)  }
0x247: {  	[tilespmem:s7+$0xFFFFFFC0] =	vst v1;
	v1 =	vpop (erf)  }
0x248: {  	[tilespmem:s7+$0xFFFFFFD0] =	vst v1;
	v1 =	vpop (erf)  }
0x249: {  	[tilespmem:s7+$0xFFFFFFE0] =	vst v1;
	v1 =	vpop (erf)  }
0x24a: {  	[tilespmem:s7+$0xFFFFFFF0] =	vst v1  }
0x24b: {  	v1 =	vld [tilespmem:$0x2700]  }
0x24c: {  	v2 =	vld [tilespmem:$0x4E80];
	_ =	sdelay $0x2  }
0x24d: {  	v3 =	vld [tilespmem:$0x7600]  }
0x24e: {  	v1 =	vadd.s32 $0x2710, v1;
	_ =	sdelay $0x2  }
0x24f: {  	s5 =	simm.s32 $0x7680  }
0x250: {  	v2 =	vld.idx.msk [tilespmem:v2+s5+$0x0], $0xffff  }
0x251: {  	v1 =	vld.idx.msk [tilespmem:v1+s5+$0x0], $0xffff  }
0x252: {  	s24 =	simm.s32 $0xC500  }
0x253: {  	v3 =	vld.idx.msk [tilespmem:v3+s24+$0x0], $0xffff;
	_ =	sdelay $0x2  }
0x254: {  	v1 =	vadd.f32 v1, v2;
	_ =	sdelay $0x1  }
0x255: {  	v1 =	vadd.f32 v3, v1;
	_ =	sdelay $0x1  }
0x256: {  	v2 =	vmul.f32 $2.000000030e-01, v1  }
0x257: {  	vm15 =	vge.f32 v1, $0.0e+00  }
0x258: {  	v1 =	vsel vm15, v1, v2  }
0x259: {  	v0 =	vsub.f32 v1, v0;
	_ =	sdelay $0x1  }
0x25a: {  	v0 =	vmul.f32 $1.442695020e+00, v0;
	_ =	sdelay $0x1  }
0x25b: {  	(erf) = vpow2.f32 v0;
	_ =	sdelay $0x8  }
0x25c: {  	s25 =	simm.s32 $0x910;
	v0 =	vpop (erf)  }
0x25d: {  	s6 =	simm.s32 $0x4580;
	s26 =	simm.s32 $0xE380;
	s28 =	simm.s32 $0x2;
	[tilespmem:$0xEC80] =	vst v0  }
0x25e: {  	[spmem:s4] =	stream.indirect.scatter.add.f32 [tilespmem:s26], [sflag:$0x2], $0x1, s6, s25, $0xb8;
	[tilespmem:$0x11780] =	vst v63  }
0x25f: {  	_ =	swait.ge [sflag:s28], $0xA00  }
0x260: {  	[sflag:s28] =	ssyncset.done $0x0  }
0x261: {  	[sflag:s28] =	ssyncadd.s32 $0xFFFFF600  }
0x262: {  	_ =	swait.ge [sflag:s28], $0xA00  }
0x263: {  	[sflag:s28] =	ssyncset.done $0x0  }
0x264: {  	[sflag:s28] =	ssyncadd.s32 $0xFFFFF600  }
0x265: {  	_ =	swait.ge [sflag:s28], $0xA00  }
0x266: {  	[sflag:s28] =	ssyncset.done $0x0  }
0x267: {  	[sflag:s28] =	ssyncadd.s32 $0xFFFFF600  }
0x268: {  	_ =	swait.ge [sflag:s28], $0x910  }
0x269: {  	[sflag:s28] =	ssyncset.done $0x0  }
0x26a: {  	[sflag:s28] =	ssyncadd.s32 $0xFFFFF6F0  }
0x26b: {  	s29 =	simm.s32 $0x3;
	s5 =	simm.s32 $0xED00;
	[bflag:$0x0] =	sbarrier.arrive $0xFFFF  }
0x26c: {  	[tilespmem:s5], [sflag:$0x3] =	stream.linear.gather [spmem:s4], $0x2800, $0x38;
	[tilespmem:$0x11780] =	vst v63  }
0x26d: {  	_ =	swait.ge [sflag:s29], $0x2800  }
0x26e: {  	[sflag:s29] =	ssyncset.done $0x0  }
0x26f: {  	s30 =	simm.s32 $0x27C0;
	[sflag:s29] =	ssyncadd.s32 $0xFFFFD800  }
0x270: {  	v0 =	vld [tilespmem:s30+$0x30]  }
0x271: {  	v1 =	vld [tilespmem:s30+$0xFFFFFFD0]  }
0x272: {  	v2 =	vld [tilespmem:s30+$0xFFFFFFE0]  }
0x273: {  	v3 =	vld [tilespmem:s30+$0xFFFFFFF0]  }
0x274: {  	v4 =	vld [tilespmem:s30+$0x0]  }
0x275: {  	v5 =	vld [tilespmem:s30+$0x10]  }
0x276: {  	v6 =	vld [tilespmem:s30+$0x20]  }
0x277: {  	s4 =	simm.s32 $0xC5C0;
	v7 =	vld [tilespmem:s30+$0xFFFFFFC0]  }
0x278: {  	v8 =	vld [tilespmem:s4+$0x30]  }
0x279: {  	v50 =	vld [tilespmem:s4+$0xFFFFFFC0]  }
0x27a: {  	v51 =	vld [tilespmem:s4+$0xFFFFFFD0]  }
0x27b: {  	s31 =	simm.s32 $0x2840;
	v52 =	vld [tilespmem:s4+$0xFFFFFFE0]  }
0x27c: {  	v53 =	vld [tilespmem:s31+$0x30]  }
0x27d: {  	v54 =	vld [tilespmem:s31+$0xFFFFFFD0]  }
0x27e: {  	v55 =	vld [tilespmem:s31+$0xFFFFFFE0]  }
0x27f: {  	v0 =	vld.idx.msk [tilespmem:v0+s5+$0x0], $0xffff  }
0x280: {  	v1 =	vld.idx.msk [tilespmem:v1+s5+$0x0], $0xffff  }
0x281: {  	v2 =	vld.idx.msk [tilespmem:v2+s5+$0x0], $0xffff  }
0x282: {  	v3 =	vld.idx.msk [tilespmem:v3+s5+$0x0], $0xffff  }
0x283: {  	v4 =	vld.idx.msk [tilespmem:v4+s5+$0x0], $0xffff  }
0x284: {  	v5 =	vld.idx.msk [tilespmem:v5+s5+$0x0], $0xffff  }
0x285: {  	v6 =	vld.idx.msk [tilespmem:v6+s5+$0x0], $0xffff  }
0x286: {  	v7 =	vld.idx.msk [tilespmem:v7+s5+$0x0], $0xffff;
	v0 =	vmax.f32 v0, $1.000000000e-15  }
0x287: {  	v1 =	vmax.f32 v1, $1.000000000e-15;
	(erf) = vrcp.f32 v0;
	v0 =	vld [tilespmem:s31+$0xFFFFFFF0]  }
0x288: {  	v2 =	vmax.f32 v2, $1.000000000e-15;
	(erf) = vrcp.f32 v1;
	v1 =	vld [tilespmem:s31+$0x0]  }
0x289: {  	v3 =	vmax.f32 v3, $1.000000000e-15;
	(erf) = vrcp.f32 v2;
	v2 =	vld [tilespmem:s31+$0x10]  }
0x28a: {  	v4 =	vmax.f32 v4, $1.000000000e-15;
	(erf) = vrcp.f32 v3;
	v3 =	vld [tilespmem:s31+$0x20]  }
0x28b: {  	v5 =	vmax.f32 v5, $1.000000000e-15;
	(erf) = vrcp.f32 v4;
	v4 =	vld [tilespmem:s31+$0xFFFFFFC0]  }
0x28c: {  	v6 =	vmax.f32 v6, $1.000000000e-15;
	(erf) = vrcp.f32 v5;
	v5 =	vld.idx.msk [tilespmem:v53+s5+$0x0], $0xffff  }
0x28d: {  	v7 =	vmax.f32 v7, $1.000000000e-15;
	(erf) = vrcp.f32 v6;
	v6 =	vld.idx.msk [tilespmem:v54+s5+$0x0], $0xffff  }
0x28e: {  	(erf) = vrcp.f32 v7;
	v7 =	vld.idx.msk [tilespmem:v55+s5+$0x0], $0xffff  }
0x28f: {  	v0 =	vld.idx.msk [tilespmem:v0+s5+$0x0], $0xffff  }
0x290: {  	v56 =	vpop (erf);
	v1 =	vld.idx.msk [tilespmem:v1+s5+$0x0], $0xffff  }
0x291: {  	v57 =	vpop (erf);
	v2 =	vld.idx.msk [tilespmem:v2+s5+$0x0], $0xffff  }
0x292: {  	v5 =	vmax.f32 v5, $1.000000000e-15;
	v58 =	vpop (erf);
	v3 =	vld.idx.msk [tilespmem:v3+s5+$0x0], $0xffff  }
0x293: {  	v6 =	vmax.f32 v6, $1.000000000e-15;
	(erf) = vrcp.f32 v5;
	v15 =	vpop (erf);
	v4 =	vld.idx.msk [tilespmem:v4+s5+$0x0], $0xffff  }
0x294: {  	v5 =	vmax.f32 v7, $1.000000000e-15;
	(erf) = vrcp.f32 v6;
	v6 =	vld [tilespmem:s4+$0xFFFFFFF0];
	v16 =	vpop (erf)  }
0x295: {  	v17 =	vld [tilespmem:s4+$0x0];
	v7 =	vmul.f32 v56, v8;
	v59 =	vmax.f32 v0, $1.000000000e-15;
	(erf) = vrcp.f32 v5;
	v8 =	vpop (erf)  }
0x296: {  	v60 =	vld [tilespmem:s4+$0x10];
	v5 =	vmul.f32 v57, v51;
	v1 =	vmax.f32 v1, $1.000000000e-15;
	(erf) = vrcp.f32 v59;
	v0 =	vpop (erf)  }
0x297: {  	s6 =	simm.s32 $0xC640;
	[tilespmem:s4+$0x30] =	vst v7;
	v7 =	vmul.f32 v58, v52;
	v62 =	vmax.f32 v2, $1.000000000e-15;
	(erf) = vrcp.f32 v1;
	v2 =	vld [tilespmem:s4+$0x20];
	v61 =	vpop (erf)  }
0x298: {  	[tilespmem:s4+$0xFFFFFFD0] =	vst v5;
	v63 =	vmax.f32 v3, $1.000000000e-15;
	v3 =	vld [tilespmem:s6+$0x30];
	(erf) = vrcp.f32 v62;
	v5 =	vmul.f32 v61, v50  }
0x299: {  	v1 =	vld [tilespmem:s6+$0xFFFFFFC0];
	[tilespmem:s4+$0xFFFFFFE0] =	vst v7;
	v4 =	vmax.f32 v4, $1.000000000e-15;
	(erf) = vrcp.f32 v63;
	v6 =	vmul.f32 v15, v6  }
0x29a: {  	v7 =	vmul.f32 v16, v17;
	(erf) = vrcp.f32 v4;
	[tilespmem:s4+$0xFFFFFFC0] =	vst v5;
	v5 =	vld [tilespmem:s6+$0xFFFFFFD0]  }
0x29b: {  	s8 =	simm.s32 $0x28C0;
	s7 =	simm.s32 $0x80;
	v4 =	vld [tilespmem:s6+$0xFFFFFFE0];
	[tilespmem:s4+$0xFFFFFFF0] =	vst v6;
	v6 =	vmul.f32 v8, v60  }
.LBB2_9:
0x29c: {  	v8 =	vld [tilespmem:s8+$0x30];
	s7 =	sadd.s32 $0x80, s7;
	v9 =	vpop (erf);
	[tilespmem:s4+$0x0] =	vst v7;
	v0 =	vmul.f32 v0, v2  }
0x29d: {  	v2 =	vld [tilespmem:s8+$0xFFFFFFD0];
	p0 =	slt.u32 s7, $0x980;
	v3 =	vmul.f32 v9, v3;
	v7 =	vpop (erf);
	[tilespmem:s4+$0x10] =	vst v6  }
0x29e: {  	v6 =	vld [tilespmem:s8+$0xFFFFFFE0];
	v9 =	vpop (erf);
	[tilespmem:s4+$0x20] =	vst v0;
	s4 =	smov.u32 s6  }
0x29f: {  	v10 =	vld [tilespmem:s8+$0xFFFFFFF0];
	v13 =	vmul.f32 v7, v5;
	[tilespmem:s6+$0x30] =	vst v3;
	v5 =	vpop (erf)  }
0x2a0: {  	v3 =	vld [tilespmem:s8+$0x0];
	v4 =	vmul.f32 v9, v4;
	v7 =	vpop (erf)  }
0x2a1: {  	v9 =	vld [tilespmem:s8+$0x10];
	[tilespmem:s6+$0xFFFFFFD0] =	vst v13;
	v11 =	vpop (erf)  }
0x2a2: {  	v12 =	vld [tilespmem:s8+$0x20];
	[tilespmem:s6+$0xFFFFFFE0] =	vst v4;
	v0 =	vpop (erf)  }
0x2a3: {  	v4 =	vld [tilespmem:s8+$0xFFFFFFC0];
	v13 =	vpop (erf)  }
0x2a4: {  	v8 =	vld.idx.msk [tilespmem:v8+s5+$0x0], $0xffff;
	v1 =	vmul.f32 v13, v1  }
0x2a5: {  	v2 =	vld.idx.msk [tilespmem:v2+s5+$0x0], $0xffff  }
0x2a6: {  	v6 =	vld.idx.msk [tilespmem:v6+s5+$0x0], $0xffff;
	[tilespmem:s6+$0xFFFFFFC0] =	vst v1  }
0x2a7: {  	v1 =	vld.idx.msk [tilespmem:v10+s5+$0x0], $0xffff  }
0x2a8: {  	v3 =	vld.idx.msk [tilespmem:v3+s5+$0x0], $0xffff  }
0x2a9: {  	v9 =	vld.idx.msk [tilespmem:v9+s5+$0x0], $0xffff  }
0x2aa: {  	v8 =	vmax.f32 v8, $1.000000000e-15;
	v10 =	vld.idx.msk [tilespmem:v12+s5+$0x0], $0xffff  }
0x2ab: {  	v2 =	vmax.f32 v2, $1.000000000e-15;
	v4 =	vld.idx.msk [tilespmem:v4+s5+$0x0], $0xffff;
	(erf) = vrcp.f32 v8  }
0x2ac: {  	v6 =	vmax.f32 v6, $1.000000000e-15;
	(erf) = vrcp.f32 v2;
	v8 =	vld [tilespmem:s6+$0xFFFFFFF0]  }
0x2ad: {  	v1 =	vmax.f32 v1, $1.000000000e-15;
	(erf) = vrcp.f32 v6;
	v6 =	vld [tilespmem:s6+$0x0]  }
0x2ae: {  	v2 =	vmax.f32 v3, $1.000000000e-15;
	(erf) = vrcp.f32 v1;
	v12 =	vld [tilespmem:s6+$0x10]  }
.Ltmp4:
0x2af: {  	v1 =	vmax.f32 v9, $1.000000000e-15;
	s6 =	sadd.s32 $0x80, s6;
	(erf) = vrcp.f32 v2;
	v2 =	vld [tilespmem:s4+$0x20];
	(pc) =	sbr.rel @p0 .LBB2_9-.Ltmp4, $4  }
0x2b0: {  	v9 =	vmax.f32 v10, $1.000000000e-15;
	v3 =	vld [tilespmem:s6+$0x30];
	(erf) = vrcp.f32 v1  }
0x2b1: {  	v4 =	vmax.f32 v4, $1.000000000e-15;
	v1 =	vld [tilespmem:s6+$0xFFFFFFC0];
	(erf) = vrcp.f32 v9;
	v8 =	vmul.f32 v5, v8  }
0x2b2: {  	v5 =	vld [tilespmem:s6+$0xFFFFFFD0];
	(erf) = vrcp.f32 v4;
	v7 =	vmul.f32 v7, v6  }
0x2b3: {  	s8 =	sadd.s32 $0x80, s8;
	v4 =	vld [tilespmem:s6+$0xFFFFFFE0];
	[tilespmem:s4+$0xFFFFFFF0] =	vst v8;
	v6 =	vmul.f32 v11, v12  }
0x2b4: {  	v8 =	vpop (erf)  }
0x2b5: {  	v9 =	vpop (erf)  }
0x2b6: {  	v10 =	vpop (erf)  }
0x2b7: {  	v11 =	vpop (erf)  }
0x2b8: {  	[tilespmem:s4+$0x0] =	vst v7;
	v0 =	vmul.f32 v0, v2;
	v7 =	vld [tilespmem:s6+$0xFFFFFFF0];
	v2 =	vpop (erf)  }
0x2b9: {  	v3 =	vmul.f32 v8, v3;
	[tilespmem:s4+$0x10] =	vst v6;
	v8 =	vld [tilespmem:s6+$0x0];
	v6 =	vpop (erf)  }
0x2ba: {  	v51 =	vld [tilespmem:s6+$0x10];
	[tilespmem:s4+$0x20] =	vst v0;
	v0 =	vmul.f32 v9, v5;
	v5 =	vpop (erf)  }
0x2bb: {  	v52 =	vld [tilespmem:s6+$0x20];
	[tilespmem:s6+$0x30] =	vst v3;
	v3 =	vmul.f32 v10, v4;
	v4 =	vpop (erf)  }
0x2bc: {  	[tilespmem:s6+$0xFFFFFFD0] =	vst v0;
	v0 =	vmul.f32 v4, v1  }
0x2bd: {  	[tilespmem:s6+$0xFFFFFFE0] =	vst v3;
	v1 =	vmul.f32 v11, v7  }
0x2be: {  	[tilespmem:s6+$0xFFFFFFC0] =	vst v0;
	v0 =	vmul.f32 v2, v8  }
0x2bf: {  	[tilespmem:s6+$0xFFFFFFF0] =	vst v1;
	v1 =	vmul.f32 v6, v51  }
0x2c0: {  	[tilespmem:s6+$0x0] =	vst v0;
	v0 =	vmul.f32 v5, v52  }
0x2c1: {  	[tilespmem:s6+$0x10] =	vst v1  }
0x2c2: {  	s30 =	simm.s32 $0x31C0;
	[tilespmem:s6+$0x20] =	vst v0  }
0x2c3: {  	v0 =	vld [tilespmem:s30+$0x30]  }
0x2c4: {  	v1 =	vld [tilespmem:s30+$0xFFFFFFD0]  }
0x2c5: {  	v2 =	vld [tilespmem:s30+$0xFFFFFFE0]  }
0x2c6: {  	v3 =	vld [tilespmem:s30+$0xFFFFFFF0]  }
0x2c7: {  	v4 =	vld [tilespmem:s30+$0x0]  }
0x2c8: {  	v5 =	vld [tilespmem:s30+$0x10]  }
0x2c9: {  	v6 =	vld [tilespmem:s30+$0x20]  }
0x2ca: {  	s4 =	simm.s32 $0xCFF0;
	v7 =	vld [tilespmem:s30+$0xFFFFFFC0]  }
0x2cb: {  	v8 =	vld [tilespmem:s4+$0x0]  }
0x2cc: {  	v53 =	vld [tilespmem:s4+$0xFFFFFF90]  }
0x2cd: {  	v54 =	vld [tilespmem:s4+$0xFFFFFFA0]  }
0x2ce: {  	s31 =	simm.s32 $0x3240;
	v55 =	vld [tilespmem:s4+$0xFFFFFFB0]  }
0x2cf: {  	v12 =	vld [tilespmem:s31+$0x30]  }
0x2d0: {  	v13 =	vld [tilespmem:s31+$0xFFFFFFD0]  }
0x2d1: {  	s5 =	simm.s32 $0xED00;
	v14 =	vld [tilespmem:s31+$0xFFFFFFE0]  }
0x2d2: {  	v0 =	vld.idx.msk [tilespmem:v0+s5+$0x0], $0xffff  }
0x2d3: {  	v1 =	vld.idx.msk [tilespmem:v1+s5+$0x0], $0xffff  }
0x2d4: {  	v2 =	vld.idx.msk [tilespmem:v2+s5+$0x0], $0xffff  }
0x2d5: {  	v3 =	vld.idx.msk [tilespmem:v3+s5+$0x0], $0xffff  }
0x2d6: {  	v4 =	vld.idx.msk [tilespmem:v4+s5+$0x0], $0xffff  }
0x2d7: {  	v5 =	vld.idx.msk [tilespmem:v5+s5+$0x0], $0xffff  }
0x2d8: {  	v6 =	vld.idx.msk [tilespmem:v6+s5+$0x0], $0xffff  }
0x2d9: {  	v7 =	vld.idx.msk [tilespmem:v7+s5+$0x0], $0xffff;
	v0 =	vmax.f32 v0, $1.000000000e-15  }
0x2da: {  	v1 =	vmax.f32 v1, $1.000000000e-15;
	(erf) = vrcp.f32 v0;
	v0 =	vld [tilespmem:s31+$0xFFFFFFF0]  }
0x2db: {  	v2 =	vmax.f32 v2, $1.000000000e-15;
	(erf) = vrcp.f32 v1;
	v1 =	vld [tilespmem:s31+$0x0]  }
0x2dc: {  	v3 =	vmax.f32 v3, $1.000000000e-15;
	(erf) = vrcp.f32 v2;
	v2 =	vld [tilespmem:s31+$0x10]  }
0x2dd: {  	v4 =	vmax.f32 v4, $1.000000000e-15;
	(erf) = vrcp.f32 v3;
	v3 =	vld [tilespmem:s31+$0x20]  }
0x2de: {  	v5 =	vmax.f32 v5, $1.000000000e-15;
	(erf) = vrcp.f32 v4;
	v4 =	vld [tilespmem:s31+$0xFFFFFFC0]  }
0x2df: {  	v6 =	vmax.f32 v6, $1.000000000e-15;
	(erf) = vrcp.f32 v5;
	v5 =	vld.idx.msk [tilespmem:v12+s5+$0x0], $0xffff  }
0x2e0: {  	v7 =	vmax.f32 v7, $1.000000000e-15;
	(erf) = vrcp.f32 v6;
	v6 =	vld.idx.msk [tilespmem:v13+s5+$0x0], $0xffff  }
0x2e1: {  	(erf) = vrcp.f32 v7;
	v7 =	vld.idx.msk [tilespmem:v14+s5+$0x0], $0xffff  }
0x2e2: {  	v0 =	vld.idx.msk [tilespmem:v0+s5+$0x0], $0xffff  }
0x2e3: {  	v56 =	vpop (erf);
	v1 =	vld.idx.msk [tilespmem:v1+s5+$0x0], $0xffff  }
0x2e4: {  	v57 =	vpop (erf);
	v2 =	vld.idx.msk [tilespmem:v2+s5+$0x0], $0xffff  }
0x2e5: {  	v5 =	vmax.f32 v5, $1.000000000e-15;
	v58 =	vpop (erf);
	v3 =	vld.idx.msk [tilespmem:v3+s5+$0x0], $0xffff  }
0x2e6: {  	v6 =	vmax.f32 v6, $1.000000000e-15;
	(erf) = vrcp.f32 v5;
	v15 =	vpop (erf);
	v4 =	vld.idx.msk [tilespmem:v4+s5+$0x0], $0xffff  }
0x2e7: {  	v5 =	vmax.f32 v7, $1.000000000e-15;
	(erf) = vrcp.f32 v6;
	v6 =	vld [tilespmem:s4+$0xFFFFFFC0];
	v16 =	vpop (erf)  }
0x2e8: {  	v17 =	vld [tilespmem:s4+$0xFFFFFFD0];
	v7 =	vmul.f32 v56, v8;
	v59 =	vmax.f32 v0, $1.000000000e-15;
	(erf) = vrcp.f32 v5;
	v8 =	vpop (erf)  }
0x2e9: {  	v60 =	vld [tilespmem:s4+$0xFFFFFFE0];
	v5 =	vmul.f32 v57, v54;
	v1 =	vmax.f32 v1, $1.000000000e-15;
	(erf) = vrcp.f32 v59;
	v0 =	vpop (erf)  }
0x2ea: {  	s6 =	simm.s32 $0xD070;
	[tilespmem:s4+$0x0] =	vst v7;
	v7 =	vmul.f32 v58, v55;
	v62 =	vmax.f32 v2, $1.000000000e-15;
	(erf) = vrcp.f32 v1;
	v2 =	vld [tilespmem:s4+$0xFFFFFFF0];
	v61 =	vpop (erf)  }
0x2eb: {  	[tilespmem:s4+$0xFFFFFFA0] =	vst v5;
	v63 =	vmax.f32 v3, $1.000000000e-15;
	v3 =	vld [tilespmem:s6+$0x0];
	(erf) = vrcp.f32 v62;
	v5 =	vmul.f32 v61, v53  }
0x2ec: {  	v1 =	vld [tilespmem:s6+$0xFFFFFF90];
	[tilespmem:s4+$0xFFFFFFB0] =	vst v7;
	v4 =	vmax.f32 v4, $1.000000000e-15;
	(erf) = vrcp.f32 v63;
	v6 =	vmul.f32 v15, v6  }
0x2ed: {  	v7 =	vmul.f32 v16, v17;
	(erf) = vrcp.f32 v4;
	[tilespmem:s4+$0xFFFFFF90] =	vst v5;
	v5 =	vld [tilespmem:s6+$0xFFFFFFA0]  }
0x2ee: {  	s7 =	simm.s32 $0x80;
	s8 =	simm.s32 $0x32C0;
	v4 =	vld [tilespmem:s6+$0xFFFFFFB0];
	[tilespmem:s4+$0xFFFFFFC0] =	vst v6;
	v6 =	vmul.f32 v8, v60  }
.LBB2_11:
0x2ef: {  	v8 =	vld [tilespmem:s8+$0x30];
	s7 =	sadd.s32 $0x80, s7;
	v9 =	vpop (erf);
	[tilespmem:s4+$0xFFFFFFD0] =	vst v7;
	v0 =	vmul.f32 v0, v2  }
0x2f0: {  	v2 =	vld [tilespmem:s8+$0xFFFFFFD0];
	p0 =	slt.u32 s7, $0x980;
	v3 =	vmul.f32 v9, v3;
	v7 =	vpop (erf);
	[tilespmem:s4+$0xFFFFFFE0] =	vst v6  }
0x2f1: {  	v6 =	vld [tilespmem:s8+$0xFFFFFFE0];
	v9 =	vpop (erf);
	[tilespmem:s4+$0xFFFFFFF0] =	vst v0;
	s4 =	smov.u32 s6  }
0x2f2: {  	v10 =	vld [tilespmem:s8+$0xFFFFFFF0];
	v13 =	vmul.f32 v7, v5;
	[tilespmem:s6+$0x0] =	vst v3;
	v5 =	vpop (erf)  }
0x2f3: {  	v3 =	vld [tilespmem:s8+$0x0];
	v4 =	vmul.f32 v9, v4;
	v7 =	vpop (erf)  }
0x2f4: {  	v9 =	vld [tilespmem:s8+$0x10];
	[tilespmem:s6+$0xFFFFFFA0] =	vst v13;
	v11 =	vpop (erf)  }
0x2f5: {  	v12 =	vld [tilespmem:s8+$0x20];
	[tilespmem:s6+$0xFFFFFFB0] =	vst v4;
	v0 =	vpop (erf)  }
0x2f6: {  	v4 =	vld [tilespmem:s8+$0xFFFFFFC0];
	v13 =	vpop (erf)  }
0x2f7: {  	v8 =	vld.idx.msk [tilespmem:v8+s5+$0x0], $0xffff;
	v1 =	vmul.f32 v13, v1  }
0x2f8: {  	v2 =	vld.idx.msk [tilespmem:v2+s5+$0x0], $0xffff  }
0x2f9: {  	v6 =	vld.idx.msk [tilespmem:v6+s5+$0x0], $0xffff;
	[tilespmem:s6+$0xFFFFFF90] =	vst v1  }
0x2fa: {  	v1 =	vld.idx.msk [tilespmem:v10+s5+$0x0], $0xffff  }
0x2fb: {  	v3 =	vld.idx.msk [tilespmem:v3+s5+$0x0], $0xffff  }
0x2fc: {  	v9 =	vld.idx.msk [tilespmem:v9+s5+$0x0], $0xffff  }
0x2fd: {  	v8 =	vmax.f32 v8, $1.000000000e-15;
	v10 =	vld.idx.msk [tilespmem:v12+s5+$0x0], $0xffff  }
0x2fe: {  	v2 =	vmax.f32 v2, $1.000000000e-15;
	v4 =	vld.idx.msk [tilespmem:v4+s5+$0x0], $0xffff;
	(erf) = vrcp.f32 v8  }
0x2ff: {  	v6 =	vmax.f32 v6, $1.000000000e-15;
	(erf) = vrcp.f32 v2;
	v8 =	vld [tilespmem:s6+$0xFFFFFFC0]  }
0x300: {  	v1 =	vmax.f32 v1, $1.000000000e-15;
	(erf) = vrcp.f32 v6;
	v6 =	vld [tilespmem:s6+$0xFFFFFFD0]  }
0x301: {  	v2 =	vmax.f32 v3, $1.000000000e-15;
	(erf) = vrcp.f32 v1;
	v12 =	vld [tilespmem:s6+$0xFFFFFFE0]  }
.Ltmp5:
0x302: {  	v1 =	vmax.f32 v9, $1.000000000e-15;
	s6 =	sadd.s32 $0x80, s6;
	(erf) = vrcp.f32 v2;
	v2 =	vld [tilespmem:s4+$0xFFFFFFF0];
	(pc) =	sbr.rel @p0 .LBB2_11-.Ltmp5, $4  }
0x303: {  	v9 =	vmax.f32 v10, $1.000000000e-15;
	v3 =	vld [tilespmem:s6+$0x0];
	(erf) = vrcp.f32 v1  }
0x304: {  	v4 =	vmax.f32 v4, $1.000000000e-15;
	v1 =	vld [tilespmem:s6+$0xFFFFFF90];
	(erf) = vrcp.f32 v9;
	v8 =	vmul.f32 v5, v8  }
0x305: {  	v5 =	vld [tilespmem:s6+$0xFFFFFFA0];
	(erf) = vrcp.f32 v4;
	v7 =	vmul.f32 v7, v6  }
0x306: {  	s8 =	sadd.s32 $0x80, s8;
	v4 =	vld [tilespmem:s6+$0xFFFFFFB0];
	[tilespmem:s4+$0xFFFFFFC0] =	vst v8;
	v6 =	vmul.f32 v11, v12  }
0x307: {  	v8 =	vpop (erf)  }
0x308: {  	v9 =	vpop (erf)  }
0x309: {  	v10 =	vpop (erf)  }
0x30a: {  	v11 =	vpop (erf)  }
0x30b: {  	[tilespmem:s4+$0xFFFFFFD0] =	vst v7;
	v0 =	vmul.f32 v0, v2;
	v7 =	vld [tilespmem:s6+$0xFFFFFFC0];
	v2 =	vpop (erf)  }
0x30c: {  	v3 =	vmul.f32 v8, v3;
	[tilespmem:s4+$0xFFFFFFE0] =	vst v6;
	v8 =	vld [tilespmem:s6+$0xFFFFFFD0];
	v6 =	vpop (erf)  }
0x30d: {  	v51 =	vld [tilespmem:s6+$0xFFFFFFE0];
	[tilespmem:s4+$0xFFFFFFF0] =	vst v0;
	v0 =	vmul.f32 v9, v5;
	v5 =	vpop (erf)  }
0x30e: {  	v52 =	vld [tilespmem:s6+$0xFFFFFFF0];
	[tilespmem:s6+$0x0] =	vst v3;
	v3 =	vmul.f32 v10, v4;
	v4 =	vpop (erf)  }
0x30f: {  	[tilespmem:s6+$0xFFFFFFA0] =	vst v0;
	v0 =	vmul.f32 v4, v1  }
0x310: {  	[tilespmem:s6+$0xFFFFFFB0] =	vst v3;
	v1 =	vmul.f32 v11, v7  }
0x311: {  	[tilespmem:s6+$0xFFFFFF90] =	vst v0;
	v0 =	vmul.f32 v2, v8  }
0x312: {  	[tilespmem:s6+$0xFFFFFFC0] =	vst v1;
	v1 =	vmul.f32 v6, v51  }
0x313: {  	[tilespmem:s6+$0xFFFFFFD0] =	vst v0;
	v0 =	vmul.f32 v5, v52  }
0x314: {  	[tilespmem:s6+$0xFFFFFFE0] =	vst v1  }
0x315: {  	s30 =	simm.s32 $0x3BC0;
	[tilespmem:s6+$0xFFFFFFF0] =	vst v0  }
0x316: {  	v0 =	vld [tilespmem:s30+$0x30]  }
0x317: {  	v1 =	vld [tilespmem:s30+$0xFFFFFFD0]  }
0x318: {  	v2 =	vld [tilespmem:s30+$0xFFFFFFE0]  }
0x319: {  	v3 =	vld [tilespmem:s30+$0xFFFFFFF0]  }
0x31a: {  	v4 =	vld [tilespmem:s30+$0x0]  }
0x31b: {  	v5 =	vld [tilespmem:s30+$0x10]  }
0x31c: {  	v6 =	vld [tilespmem:s30+$0x20]  }
0x31d: {  	s4 =	simm.s32 $0xD9F0;
	v7 =	vld [tilespmem:s30+$0xFFFFFFC0]  }
0x31e: {  	v8 =	vld [tilespmem:s4+$0x0]  }
0x31f: {  	v53 =	vld [tilespmem:s4+$0xFFFFFF90]  }
0x320: {  	v54 =	vld [tilespmem:s4+$0xFFFFFFA0]  }
0x321: {  	s31 =	simm.s32 $0x3C40;
	v55 =	vld [tilespmem:s4+$0xFFFFFFB0]  }
0x322: {  	v12 =	vld [tilespmem:s31+$0x30]  }
0x323: {  	v13 =	vld [tilespmem:s31+$0xFFFFFFD0]  }
0x324: {  	s5 =	simm.s32 $0xED00;
	v14 =	vld [tilespmem:s31+$0xFFFFFFE0]  }
0x325: {  	v0 =	vld.idx.msk [tilespmem:v0+s5+$0x0], $0xffff  }
0x326: {  	v1 =	vld.idx.msk [tilespmem:v1+s5+$0x0], $0xffff  }
0x327: {  	v2 =	vld.idx.msk [tilespmem:v2+s5+$0x0], $0xffff  }
0x328: {  	v3 =	vld.idx.msk [tilespmem:v3+s5+$0x0], $0xffff  }
0x329: {  	v4 =	vld.idx.msk [tilespmem:v4+s5+$0x0], $0xffff  }
0x32a: {  	v5 =	vld.idx.msk [tilespmem:v5+s5+$0x0], $0xffff  }
0x32b: {  	v6 =	vld.idx.msk [tilespmem:v6+s5+$0x0], $0xffff  }
0x32c: {  	v7 =	vld.idx.msk [tilespmem:v7+s5+$0x0], $0xffff;
	v0 =	vmax.f32 v0, $1.000000000e-15  }
0x32d: {  	v1 =	vmax.f32 v1, $1.000000000e-15;
	(erf) = vrcp.f32 v0;
	v0 =	vld [tilespmem:s31+$0xFFFFFFF0]  }
0x32e: {  	v2 =	vmax.f32 v2, $1.000000000e-15;
	(erf) = vrcp.f32 v1;
	v1 =	vld [tilespmem:s31+$0x0]  }
0x32f: {  	v3 =	vmax.f32 v3, $1.000000000e-15;
	(erf) = vrcp.f32 v2;
	v2 =	vld [tilespmem:s31+$0x10]  }
0x330: {  	v4 =	vmax.f32 v4, $1.000000000e-15;
	(erf) = vrcp.f32 v3;
	v3 =	vld [tilespmem:s31+$0x20]  }
0x331: {  	v5 =	vmax.f32 v5, $1.000000000e-15;
	(erf) = vrcp.f32 v4;
	v4 =	vld [tilespmem:s31+$0xFFFFFFC0]  }
0x332: {  	v6 =	vmax.f32 v6, $1.000000000e-15;
	(erf) = vrcp.f32 v5;
	v5 =	vld.idx.msk [tilespmem:v12+s5+$0x0], $0xffff  }
0x333: {  	v7 =	vmax.f32 v7, $1.000000000e-15;
	(erf) = vrcp.f32 v6;
	v6 =	vld.idx.msk [tilespmem:v13+s5+$0x0], $0xffff  }
0x334: {  	(erf) = vrcp.f32 v7;
	v7 =	vld.idx.msk [tilespmem:v14+s5+$0x0], $0xffff  }
0x335: {  	v0 =	vld.idx.msk [tilespmem:v0+s5+$0x0], $0xffff  }
0x336: {  	v56 =	vpop (erf);
	v1 =	vld.idx.msk [tilespmem:v1+s5+$0x0], $0xffff  }
0x337: {  	v57 =	vpop (erf);
	v2 =	vld.idx.msk [tilespmem:v2+s5+$0x0], $0xffff  }
0x338: {  	v5 =	vmax.f32 v5, $1.000000000e-15;
	v58 =	vpop (erf);
	v3 =	vld.idx.msk [tilespmem:v3+s5+$0x0], $0xffff  }
0x339: {  	v6 =	vmax.f32 v6, $1.000000000e-15;
	(erf) = vrcp.f32 v5;
	v15 =	vpop (erf);
	v4 =	vld.idx.msk [tilespmem:v4+s5+$0x0], $0xffff  }
0x33a: {  	v5 =	vmax.f32 v7, $1.000000000e-15;
	(erf) = vrcp.f32 v6;
	v6 =	vld [tilespmem:s4+$0xFFFFFFC0];
	v16 =	vpop (erf)  }
0x33b: {  	v17 =	vld [tilespmem:s4+$0xFFFFFFD0];
	v7 =	vmul.f32 v56, v8;
	v59 =	vmax.f32 v0, $1.000000000e-15;
	(erf) = vrcp.f32 v5;
	v8 =	vpop (erf)  }
0x33c: {  	v60 =	vld [tilespmem:s4+$0xFFFFFFE0];
	v5 =	vmul.f32 v57, v54;
	v1 =	vmax.f32 v1, $1.000000000e-15;
	(erf) = vrcp.f32 v59;
	v0 =	vpop (erf)  }
0x33d: {  	s6 =	simm.s32 $0xDA70;
	[tilespmem:s4+$0x0] =	vst v7;
	v7 =	vmul.f32 v58, v55;
	v62 =	vmax.f32 v2, $1.000000000e-15;
	(erf) = vrcp.f32 v1;
	v2 =	vld [tilespmem:s4+$0xFFFFFFF0];
	v61 =	vpop (erf)  }
0x33e: {  	[tilespmem:s4+$0xFFFFFFA0] =	vst v5;
	v63 =	vmax.f32 v3, $1.000000000e-15;
	v3 =	vld [tilespmem:s6+$0x0];
	(erf) = vrcp.f32 v62;
	v5 =	vmul.f32 v61, v53  }
0x33f: {  	v1 =	vld [tilespmem:s6+$0xFFFFFF90];
	[tilespmem:s4+$0xFFFFFFB0] =	vst v7;
	v4 =	vmax.f32 v4, $1.000000000e-15;
	(erf) = vrcp.f32 v63;
	v6 =	vmul.f32 v15, v6  }
0x340: {  	v7 =	vmul.f32 v16, v17;
	(erf) = vrcp.f32 v4;
	[tilespmem:s4+$0xFFFFFF90] =	vst v5;
	v5 =	vld [tilespmem:s6+$0xFFFFFFA0]  }
0x341: {  	s7 =	simm.s32 $0x80;
	s8 =	simm.s32 $0x3CC0;
	v4 =	vld [tilespmem:s6+$0xFFFFFFB0];
	[tilespmem:s4+$0xFFFFFFC0] =	vst v6;
	v6 =	vmul.f32 v8, v60  }
.LBB2_13:
0x342: {  	v8 =	vld [tilespmem:s8+$0x30];
	s7 =	sadd.s32 $0x80, s7;
	v9 =	vpop (erf);
	[tilespmem:s4+$0xFFFFFFD0] =	vst v7;
	v0 =	vmul.f32 v0, v2  }
0x343: {  	v2 =	vld [tilespmem:s8+$0xFFFFFFD0];
	p0 =	slt.u32 s7, $0x980;
	v3 =	vmul.f32 v9, v3;
	v7 =	vpop (erf);
	[tilespmem:s4+$0xFFFFFFE0] =	vst v6  }
0x344: {  	v6 =	vld [tilespmem:s8+$0xFFFFFFE0];
	v9 =	vpop (erf);
	[tilespmem:s4+$0xFFFFFFF0] =	vst v0;
	s4 =	smov.u32 s6  }
0x345: {  	v10 =	vld [tilespmem:s8+$0xFFFFFFF0];
	v13 =	vmul.f32 v7, v5;
	[tilespmem:s6+$0x0] =	vst v3;
	v5 =	vpop (erf)  }
0x346: {  	v3 =	vld [tilespmem:s8+$0x0];
	v4 =	vmul.f32 v9, v4;
	v7 =	vpop (erf)  }
0x347: {  	v9 =	vld [tilespmem:s8+$0x10];
	[tilespmem:s6+$0xFFFFFFA0] =	vst v13;
	v11 =	vpop (erf)  }
0x348: {  	v12 =	vld [tilespmem:s8+$0x20];
	[tilespmem:s6+$0xFFFFFFB0] =	vst v4;
	v0 =	vpop (erf)  }
0x349: {  	v4 =	vld [tilespmem:s8+$0xFFFFFFC0];
	v13 =	vpop (erf)  }
0x34a: {  	v8 =	vld.idx.msk [tilespmem:v8+s5+$0x0], $0xffff;
	v1 =	vmul.f32 v13, v1  }
0x34b: {  	v2 =	vld.idx.msk [tilespmem:v2+s5+$0x0], $0xffff  }
0x34c: {  	v6 =	vld.idx.msk [tilespmem:v6+s5+$0x0], $0xffff;
	[tilespmem:s6+$0xFFFFFF90] =	vst v1  }
0x34d: {  	v1 =	vld.idx.msk [tilespmem:v10+s5+$0x0], $0xffff  }
0x34e: {  	v3 =	vld.idx.msk [tilespmem:v3+s5+$0x0], $0xffff  }
0x34f: {  	v9 =	vld.idx.msk [tilespmem:v9+s5+$0x0], $0xffff  }
0x350: {  	v8 =	vmax.f32 v8, $1.000000000e-15;
	v10 =	vld.idx.msk [tilespmem:v12+s5+$0x0], $0xffff  }
0x351: {  	v2 =	vmax.f32 v2, $1.000000000e-15;
	v4 =	vld.idx.msk [tilespmem:v4+s5+$0x0], $0xffff;
	(erf) = vrcp.f32 v8  }
0x352: {  	v6 =	vmax.f32 v6, $1.000000000e-15;
	(erf) = vrcp.f32 v2;
	v8 =	vld [tilespmem:s6+$0xFFFFFFC0]  }
0x353: {  	v1 =	vmax.f32 v1, $1.000000000e-15;
	(erf) = vrcp.f32 v6;
	v6 =	vld [tilespmem:s6+$0xFFFFFFD0]  }
0x354: {  	v2 =	vmax.f32 v3, $1.000000000e-15;
	(erf) = vrcp.f32 v1;
	v12 =	vld [tilespmem:s6+$0xFFFFFFE0]  }
.Ltmp6:
0x355: {  	v1 =	vmax.f32 v9, $1.000000000e-15;
	s6 =	sadd.s32 $0x80, s6;
	(erf) = vrcp.f32 v2;
	v2 =	vld [tilespmem:s4+$0xFFFFFFF0];
	(pc) =	sbr.rel @p0 .LBB2_13-.Ltmp6, $4  }
0x356: {  	v9 =	vmax.f32 v10, $1.000000000e-15;
	v3 =	vld [tilespmem:s6+$0x0];
	(erf) = vrcp.f32 v1  }
0x357: {  	v4 =	vmax.f32 v4, $1.000000000e-15;
	v1 =	vld [tilespmem:s6+$0xFFFFFF90];
	(erf) = vrcp.f32 v9;
	v8 =	vmul.f32 v5, v8  }
0x358: {  	v5 =	vld [tilespmem:s6+$0xFFFFFFA0];
	(erf) = vrcp.f32 v4;
	v7 =	vmul.f32 v7, v6  }
0x359: {  	s8 =	sadd.s32 $0x80, s8;
	v4 =	vld [tilespmem:s6+$0xFFFFFFB0];
	[tilespmem:s4+$0xFFFFFFC0] =	vst v8;
	v6 =	vmul.f32 v11, v12  }
0x35a: {  	v8 =	vpop (erf)  }
0x35b: {  	v9 =	vpop (erf)  }
0x35c: {  	v10 =	vpop (erf)  }
0x35d: {  	v11 =	vpop (erf)  }
0x35e: {  	[tilespmem:s4+$0xFFFFFFD0] =	vst v7;
	v0 =	vmul.f32 v0, v2;
	v7 =	vld [tilespmem:s6+$0xFFFFFFC0];
	v2 =	vpop (erf)  }
0x35f: {  	v3 =	vmul.f32 v8, v3;
	[tilespmem:s4+$0xFFFFFFE0] =	vst v6;
	v8 =	vld [tilespmem:s6+$0xFFFFFFD0];
	v6 =	vpop (erf)  }
0x360: {  	v51 =	vld [tilespmem:s6+$0xFFFFFFE0];
	[tilespmem:s4+$0xFFFFFFF0] =	vst v0;
	v0 =	vmul.f32 v9, v5;
	v5 =	vpop (erf)  }
0x361: {  	v52 =	vld [tilespmem:s6+$0xFFFFFFF0];
	[tilespmem:s6+$0x0] =	vst v3;
	v3 =	vmul.f32 v10, v4;
	v4 =	vpop (erf)  }
0x362: {  	[tilespmem:s6+$0xFFFFFFA0] =	vst v0;
	v0 =	vmul.f32 v4, v1  }
0x363: {  	[tilespmem:s6+$0xFFFFFFB0] =	vst v3;
	v1 =	vmul.f32 v11, v7  }
0x364: {  	[tilespmem:s6+$0xFFFFFF90] =	vst v0;
	v0 =	vmul.f32 v2, v8  }
0x365: {  	[tilespmem:s6+$0xFFFFFFC0] =	vst v1;
	v1 =	vmul.f32 v6, v51  }
0x366: {  	[tilespmem:s6+$0xFFFFFFD0] =	vst v0;
	v0 =	vmul.f32 v5, v52  }
0x367: {  	[tilespmem:s6+$0xFFFFFFE0] =	vst v1  }
0x368: {  	s30 =	simm.s32 $0x45C0;
	[tilespmem:s6+$0xFFFFFFF0] =	vst v0  }
0x369: {  	v0 =	vld [tilespmem:s30+$0x30]  }
0x36a: {  	v1 =	vld [tilespmem:s30+$0xFFFFFFD0]  }
0x36b: {  	v2 =	vld [tilespmem:s30+$0xFFFFFFE0]  }
0x36c: {  	v3 =	vld [tilespmem:s30+$0xFFFFFFF0]  }
0x36d: {  	v4 =	vld [tilespmem:s30+$0x0]  }
0x36e: {  	v5 =	vld [tilespmem:s30+$0x10]  }
0x36f: {  	v6 =	vld [tilespmem:s30+$0x20]  }
0x370: {  	s4 =	simm.s32 $0xE3F0;
	v7 =	vld [tilespmem:s30+$0xFFFFFFC0]  }
0x371: {  	v8 =	vld [tilespmem:s4+$0x0]  }
0x372: {  	v53 =	vld [tilespmem:s4+$0xFFFFFF90]  }
0x373: {  	v54 =	vld [tilespmem:s4+$0xFFFFFFA0]  }
0x374: {  	s31 =	simm.s32 $0x4640;
	v55 =	vld [tilespmem:s4+$0xFFFFFFB0]  }
0x375: {  	v12 =	vld [tilespmem:s31+$0x30]  }
0x376: {  	v13 =	vld [tilespmem:s31+$0xFFFFFFD0]  }
0x377: {  	s5 =	simm.s32 $0xED00;
	v14 =	vld [tilespmem:s31+$0xFFFFFFE0]  }
0x378: {  	v0 =	vld.idx.msk [tilespmem:v0+s5+$0x0], $0xffff  }
0x379: {  	v1 =	vld.idx.msk [tilespmem:v1+s5+$0x0], $0xffff  }
0x37a: {  	v2 =	vld.idx.msk [tilespmem:v2+s5+$0x0], $0xffff  }
0x37b: {  	v3 =	vld.idx.msk [tilespmem:v3+s5+$0x0], $0xffff  }
0x37c: {  	v4 =	vld.idx.msk [tilespmem:v4+s5+$0x0], $0xffff  }
0x37d: {  	v5 =	vld.idx.msk [tilespmem:v5+s5+$0x0], $0xffff  }
0x37e: {  	v6 =	vld.idx.msk [tilespmem:v6+s5+$0x0], $0xffff  }
0x37f: {  	v7 =	vld.idx.msk [tilespmem:v7+s5+$0x0], $0xffff;
	v0 =	vmax.f32 v0, $1.000000000e-15  }
0x380: {  	v1 =	vmax.f32 v1, $1.000000000e-15;
	(erf) = vrcp.f32 v0;
	v0 =	vld [tilespmem:s31+$0xFFFFFFF0]  }
0x381: {  	v2 =	vmax.f32 v2, $1.000000000e-15;
	(erf) = vrcp.f32 v1;
	v1 =	vld [tilespmem:s31+$0x0]  }
0x382: {  	v3 =	vmax.f32 v3, $1.000000000e-15;
	(erf) = vrcp.f32 v2;
	v2 =	vld [tilespmem:s31+$0x10]  }
0x383: {  	v4 =	vmax.f32 v4, $1.000000000e-15;
	(erf) = vrcp.f32 v3;
	v3 =	vld [tilespmem:s31+$0x20]  }
0x384: {  	v5 =	vmax.f32 v5, $1.000000000e-15;
	(erf) = vrcp.f32 v4;
	v4 =	vld [tilespmem:s31+$0xFFFFFFC0]  }
0x385: {  	v6 =	vmax.f32 v6, $1.000000000e-15;
	(erf) = vrcp.f32 v5;
	v5 =	vld.idx.msk [tilespmem:v12+s5+$0x0], $0xffff  }
0x386: {  	v7 =	vmax.f32 v7, $1.000000000e-15;
	(erf) = vrcp.f32 v6;
	v6 =	vld.idx.msk [tilespmem:v13+s5+$0x0], $0xffff  }
0x387: {  	(erf) = vrcp.f32 v7;
	v7 =	vld.idx.msk [tilespmem:v14+s5+$0x0], $0xffff  }
0x388: {  	v0 =	vld.idx.msk [tilespmem:v0+s5+$0x0], $0xffff  }
0x389: {  	v56 =	vpop (erf);
	v1 =	vld.idx.msk [tilespmem:v1+s5+$0x0], $0xffff  }
0x38a: {  	v57 =	vpop (erf);
	v2 =	vld.idx.msk [tilespmem:v2+s5+$0x0], $0xffff  }
0x38b: {  	v5 =	vmax.f32 v5, $1.000000000e-15;
	v58 =	vpop (erf);
	v3 =	vld.idx.msk [tilespmem:v3+s5+$0x0], $0xffff  }
0x38c: {  	v6 =	vmax.f32 v6, $1.000000000e-15;
	(erf) = vrcp.f32 v5;
	v15 =	vpop (erf);
	v4 =	vld.idx.msk [tilespmem:v4+s5+$0x0], $0xffff  }
0x38d: {  	v5 =	vmax.f32 v7, $1.000000000e-15;
	(erf) = vrcp.f32 v6;
	v6 =	vld [tilespmem:s4+$0xFFFFFFC0];
	v16 =	vpop (erf)  }
0x38e: {  	v17 =	vld [tilespmem:s4+$0xFFFFFFD0];
	v7 =	vmul.f32 v56, v8;
	v59 =	vmax.f32 v0, $1.000000000e-15;
	(erf) = vrcp.f32 v5;
	v8 =	vpop (erf)  }
0x38f: {  	v60 =	vld [tilespmem:s4+$0xFFFFFFE0];
	v5 =	vmul.f32 v57, v54;
	v1 =	vmax.f32 v1, $1.000000000e-15;
	(erf) = vrcp.f32 v59;
	v0 =	vpop (erf)  }
0x390: {  	s6 =	simm.s32 $0xE470;
	[tilespmem:s4+$0x0] =	vst v7;
	v7 =	vmul.f32 v58, v55;
	v62 =	vmax.f32 v2, $1.000000000e-15;
	(erf) = vrcp.f32 v1;
	v2 =	vld [tilespmem:s4+$0xFFFFFFF0];
	v61 =	vpop (erf)  }
0x391: {  	[tilespmem:s4+$0xFFFFFFA0] =	vst v5;
	v63 =	vmax.f32 v3, $1.000000000e-15;
	v3 =	vld [tilespmem:s6+$0x0];
	(erf) = vrcp.f32 v62;
	v5 =	vmul.f32 v61, v53  }
0x392: {  	v1 =	vld [tilespmem:s6+$0xFFFFFF90];
	[tilespmem:s4+$0xFFFFFFB0] =	vst v7;
	v4 =	vmax.f32 v4, $1.000000000e-15;
	(erf) = vrcp.f32 v63;
	v6 =	vmul.f32 v15, v6  }
0x393: {  	v7 =	vmul.f32 v16, v17;
	(erf) = vrcp.f32 v4;
	[tilespmem:s4+$0xFFFFFF90] =	vst v5;
	v5 =	vld [tilespmem:s6+$0xFFFFFFA0]  }
0x394: {  	s7 =	simm.s32 $0x80;
	s8 =	simm.s32 $0x46C0;
	v4 =	vld [tilespmem:s6+$0xFFFFFFB0];
	[tilespmem:s4+$0xFFFFFFC0] =	vst v6;
	v6 =	vmul.f32 v8, v60  }
.LBB2_15:
0x395: {  	v8 =	vld [tilespmem:s8+$0x30];
	s7 =	sadd.s32 $0x80, s7;
	v9 =	vpop (erf);
	[tilespmem:s4+$0xFFFFFFD0] =	vst v7;
	v0 =	vmul.f32 v0, v2  }
0x396: {  	v2 =	vld [tilespmem:s8+$0xFFFFFFD0];
	p0 =	slt.u32 s7, $0x880;
	v3 =	vmul.f32 v9, v3;
	v7 =	vpop (erf);
	[tilespmem:s4+$0xFFFFFFE0] =	vst v6  }
0x397: {  	v6 =	vld [tilespmem:s8+$0xFFFFFFE0];
	v9 =	vpop (erf);
	[tilespmem:s4+$0xFFFFFFF0] =	vst v0;
	s4 =	smov.u32 s6  }
0x398: {  	v10 =	vld [tilespmem:s8+$0xFFFFFFF0];
	v13 =	vmul.f32 v7, v5;
	[tilespmem:s6+$0x0] =	vst v3;
	v5 =	vpop (erf)  }
0x399: {  	v3 =	vld [tilespmem:s8+$0x0];
	v4 =	vmul.f32 v9, v4;
	v7 =	vpop (erf)  }
0x39a: {  	v9 =	vld [tilespmem:s8+$0x10];
	[tilespmem:s6+$0xFFFFFFA0] =	vst v13;
	v11 =	vpop (erf)  }
0x39b: {  	v12 =	vld [tilespmem:s8+$0x20];
	[tilespmem:s6+$0xFFFFFFB0] =	vst v4;
	v0 =	vpop (erf)  }
0x39c: {  	v4 =	vld [tilespmem:s8+$0xFFFFFFC0];
	v13 =	vpop (erf)  }
0x39d: {  	v8 =	vld.idx.msk [tilespmem:v8+s5+$0x0], $0xffff;
	v1 =	vmul.f32 v13, v1  }
0x39e: {  	v2 =	vld.idx.msk [tilespmem:v2+s5+$0x0], $0xffff  }
0x39f: {  	v6 =	vld.idx.msk [tilespmem:v6+s5+$0x0], $0xffff;
	[tilespmem:s6+$0xFFFFFF90] =	vst v1  }
0x3a0: {  	v1 =	vld.idx.msk [tilespmem:v10+s5+$0x0], $0xffff  }
0x3a1: {  	v3 =	vld.idx.msk [tilespmem:v3+s5+$0x0], $0xffff  }
0x3a2: {  	v9 =	vld.idx.msk [tilespmem:v9+s5+$0x0], $0xffff  }
0x3a3: {  	v8 =	vmax.f32 v8, $1.000000000e-15;
	v10 =	vld.idx.msk [tilespmem:v12+s5+$0x0], $0xffff  }
0x3a4: {  	v2 =	vmax.f32 v2, $1.000000000e-15;
	v4 =	vld.idx.msk [tilespmem:v4+s5+$0x0], $0xffff;
	(erf) = vrcp.f32 v8  }
0x3a5: {  	v6 =	vmax.f32 v6, $1.000000000e-15;
	(erf) = vrcp.f32 v2;
	v8 =	vld [tilespmem:s6+$0xFFFFFFC0]  }
0x3a6: {  	v1 =	vmax.f32 v1, $1.000000000e-15;
	(erf) = vrcp.f32 v6;
	v6 =	vld [tilespmem:s6+$0xFFFFFFD0]  }
0x3a7: {  	v2 =	vmax.f32 v3, $1.000000000e-15;
	(erf) = vrcp.f32 v1;
	v12 =	vld [tilespmem:s6+$0xFFFFFFE0]  }
.Ltmp7:
0x3a8: {  	v1 =	vmax.f32 v9, $1.000000000e-15;
	s6 =	sadd.s32 $0x80, s6;
	(erf) = vrcp.f32 v2;
	v2 =	vld [tilespmem:s4+$0xFFFFFFF0];
	(pc) =	sbr.rel @p0 .LBB2_15-.Ltmp7, $4  }
0x3a9: {  	v9 =	vmax.f32 v10, $1.000000000e-15;
	v3 =	vld [tilespmem:s6+$0x0];
	(erf) = vrcp.f32 v1  }
0x3aa: {  	v4 =	vmax.f32 v4, $1.000000000e-15;
	v1 =	vld [tilespmem:s6+$0xFFFFFF90];
	(erf) = vrcp.f32 v9;
	v8 =	vmul.f32 v5, v8  }
0x3ab: {  	v5 =	vld [tilespmem:s6+$0xFFFFFFA0];
	(erf) = vrcp.f32 v4;
	v7 =	vmul.f32 v7, v6  }
0x3ac: {  	s8 =	sadd.s32 $0x80, s8;
	v4 =	vld [tilespmem:s6+$0xFFFFFFB0];
	[tilespmem:s4+$0xFFFFFFC0] =	vst v8;
	v6 =	vmul.f32 v11, v12  }
0x3ad: {  	v48 =	vld [tilespmem:s6+$0xFFFFFFC0]  }
0x3ae: {  	v8 =	vpop (erf);
	[tilespmem:s4+$0xFFFFFFD0] =	vst v7;
	v0 =	vmul.f32 v0, v2;
	v50 =	vld [tilespmem:s6+$0xFFFFFFD0]  }
0x3af: {  	v53 =	vld [tilespmem:s6+$0xFFFFFFE0];
	v9 =	vpop (erf);
	v3 =	vmul.f32 v8, v3;
	[tilespmem:s4+$0xFFFFFFE0] =	vst v6  }
0x3b0: {  	v56 =	vld [tilespmem:s6+$0xFFFFFFF0];
	v10 =	vpop (erf);
	[tilespmem:s4+$0xFFFFFFF0] =	vst v0;
	v51 =	vmul.f32 v9, v5  }
0x3b1: {  	v11 =	vpop (erf);
	[tilespmem:s6+$0x0] =	vst v3;
	v54 =	vmul.f32 v10, v4  }
0x3b2: {  	v47 =	vpop (erf);
	[tilespmem:s6+$0xFFFFFFA0] =	vst v51;
	v58 =	vmul.f32 v11, v48  }
0x3b3: {  	v49 =	vpop (erf);
	v59 =	vmul.f32 v47, v50;
	[tilespmem:s6+$0xFFFFFFB0] =	vst v54  }
0x3b4: {  	v52 =	vpop (erf);
	v60 =	vmul.f32 v49, v53;
	[tilespmem:s6+$0xFFFFFFC0] =	vst v58  }
0x3b5: {  	v55 =	vpop (erf);
	[tilespmem:s6+$0xFFFFFFD0] =	vst v59;
	v61 =	vmul.f32 v52, v56  }
0x3b6: {  	v57 =	vmul.f32 v55, v1;
	[tilespmem:s6+$0xFFFFFFE0] =	vst v60  }
0x3b7: {  	[tilespmem:s6+$0xFFFFFFF0] =	vst v61  }
0x3b8: {  	[tilespmem:s6+$0xFFFFFF90] =	vst v57  }
0x3b9: {  	v0 =	vld [tilespmem:$0x4E80];
	_ =	sdelay $0x6  }
0x3ba: {  	s28 =	simm.s32 $0xED00  }
0x3bb: {  	v0 =	vld.idx.msk [tilespmem:v0+s28+$0x0], $0xffff;
	_ =	sdelay $0x4  }
0x3bc: {  	v0 =	vmax.f32 v0, $1.000000000e-15  }
0x3bd: {  	(erf) = vrcp.f32 v0;
	_ =	sdelay $0x4  }
0x3be: {  	v62 =	vld [tilespmem:$0xEC80];
	_ =	sdelay $0x3  }
0x3bf: {  	v63 =	vpop (erf)  }
0x3c0: {  	v0 =	vmul.f32 v63, v62  }
0x3c1: {  	s2 =	sadd.s32 s2, s3  }
0x3c2: {  	s29 =	simm.s32 $0x0;
	s30 =	simm.s32 $0xC580;
	s31 =	simm.s32 $0x3;
	[tilespmem:$0xEC80] =	vst v0  }
0x3c3: {  	[hbm4b:s2+s29] =	stream.linear.scatter [tilespmem:s30], [sflag:$0x3], $0x2710, $0x38;
	[tilespmem:$0x11780] =	vst v63  }
0x3c4: {  	_ =	swait.ge [sflag:s31], $0x2710  }
0x3c5: {  	[sflag:s31] =	ssyncset.done $0x0  }
0x3c6: {  	[sflag:s31] =	ssyncadd.s32 $0xFFFFD8F0  }
0x3c7: {  	_ =	sfence.sel $0x180000  }
0x3c8: {  	[bflag:$0x0] =	sbarrier.arrive $0xFFFF  }
0x3c9: {  	p0 =	sne.s32 s0, $0x0;
	_ =	strace $0x90000047  }
0x3ca: {  	s0 =	sadd.s32 @!p0 $0x100000, s1;
	[bflag:$0x2] =	sbarrier.arrive $0xFFFF  }
0x3cb: {  	[sflag:s0] =	ssyncadd.tile.s32 @!p0 $0x1;
	_ =	shalt  }
.Lfunc_end2:
_tile_overlayer_lowered:
.L_overlay_start_2:
0x3cc: {  	(tag) =	ssettag $0x2  }
0x3cd: {  	s0 =	rddreg [dreg:$0x0];
	s2 =	stileid.u32  }
0x3ce: {  	s1 =	rddreg [dreg:$0x1];
	p0 =	sne.s32 s2, $0x0  }
0x3cf: {  	s3 =	rddreg [dreg:$0x2];
	[bflag:$0x3] =	sbarrier.arrive $0xFFFF;
	s2 =	simm.s32 @!p0 $0x1C03  }
0x3d0: {  	[timem:s3], [sflag:s2] =	dma.local @!p0 [hbm:s0], s1  }
0x3d1: {  	s0 =	simm.s32 @!p0 $0x3  }
0x3d2: {  	_ =	swait.ge @!p0 [sflag:s0], s1  }
0x3d3: {  	s1 =	ssub.s32 @!p0 $0x0, s1;
	[sflag:s0] =	ssyncset.done @!p0 $0x0  }
0x3d4: {  	[sflag:s0] =	ssyncadd.s32 @!p0 s1  }
0x3d5: {  	[bflag:$0x3] =	sbarrier.arrive $0xFFFF  }
0x3d6: {  	_ =	shalt  }

</sc_bundles>
